<compile_context>
chip_gen: v7x
topology: tpu7x:2x2x1
jax: 0.10.2.dev20260603
libtpu: 0.0.44.dev20260713+nightly
codegen_flags: <defaults>
</compile_context>

<pallas_src>
import functools

import jax
import jax.numpy as jnp
from jax import lax
from jax.experimental import pallas as pl
from jax.experimental.pallas import tpu as pltpu
from jax.experimental.pallas import tpu_sc as plsc

_B = 4096
_H = 200
_D = 64
_C = 128

_NC = 2
_NS = 16
_NW = _NC * _NS
_BPW = _B // _NW

_G1 = 128
_G2 = _H - _G1


def _sc_pool_body(x_hbm, table_hbm, out_hbm, idx_v, gbuf, out_v,
                  sa0, sb0, sa1, sb1):
    wid = lax.axis_index("c") * _NS + lax.axis_index("s")
    base = wid * _BPW

    pltpu.sync_copy(x_hbm.at[pl.ds(base, _BPW)], idx_v)

    sems = ((sa0, sb0), (sa1, sb1))

    def issue(b, s):
        pltpu.async_copy(table_hbm.at[idx_v.at[b, pl.ds(0, _G1)]],
                         gbuf.at[s, pl.ds(0, _G1)], sems[s][0])
        pltpu.async_copy(table_hbm.at[idx_v.at[b, pl.ds(_G1, _G2)]],
                         gbuf.at[s, pl.ds(_G1, _G2)], sems[s][1])

    def wait_slot(s):
        pltpu.make_async_copy(table_hbm.at[pl.ds(0, _G1)],
                              gbuf.at[s, pl.ds(0, _G1)], sems[s][0]).wait()
        pltpu.make_async_copy(table_hbm.at[pl.ds(0, _G2)],
                              gbuf.at[s, pl.ds(_G1, _G2)], sems[s][1]).wait()

    def accum(b, s):
        unroll = 8

        def rbody(i, accs):
            accs = list(accs)
            for u in range(unroll):
                r = i * unroll + u
                for d in range(_D // 16):
                    accs[d] = accs[d] + gbuf[s, r, pl.ds(d * 16, 16)]
            return tuple(accs)

        zero = jnp.zeros((16,), jnp.float32)
        accs = lax.fori_loop(0, _H // unroll, rbody, (zero,) * (_D // 16))
        for d in range(_D // 16):
            out_v[b, pl.ds(d * 16, 16)] = accs[d]

    issue(0, 0)
    issue(1, 1)

    def body(b2, carry):
        for s in range(2):
            b = b2 * 2 + s
            wait_slot(s)
            accum(b, s)

            @pl.when(b + 2 < _BPW)
            def _():
                issue(b + 2, s)
        return carry

    lax.fori_loop(0, _BPW // 2, body, 0)

    pltpu.sync_copy(out_v, out_hbm.at[pl.ds(base, _BPW)])


_sc_pool = functools.partial(
    pl.kernel,
    out_type=jax.ShapeDtypeStruct((_B, _D), jnp.float32),
    mesh=plsc.VectorSubcoreMesh(core_axis_name="c", subcore_axis_name="s"),
    compiler_params=pltpu.CompilerParams(use_tc_tiling_on_sc=False),
    scratch_types=[
        pltpu.VMEM((_BPW, _H), jnp.int32),
        pltpu.VMEM((2, _H, _D), jnp.float32),
        pltpu.VMEM((_BPW, _D), jnp.float32),
        pltpu.SemaphoreType.DMA,
        pltpu.SemaphoreType.DMA,
        pltpu.SemaphoreType.DMA,
        pltpu.SemaphoreType.DMA,
    ],
)(_sc_pool_body)


def _fc_body(p_ref, len_ref, w_ref, b_ref, o_ref):
    acc = jnp.dot(p_ref[...], w_ref[...], preferred_element_type=jnp.float32)
    o_ref[...] = acc / len_ref[...] + b_ref[...]


_BB = 256


def _fc(pooled, len_col, w_t, bias_row):
    return pl.pallas_call(
        _fc_body,
        out_shape=jax.ShapeDtypeStruct((_B, _C), jnp.float32),
        grid=(_B // _BB,),
        in_specs=[
            pl.BlockSpec((_BB, _D), lambda i: (i, 0)),
            pl.BlockSpec((_BB, 1), lambda i: (i, 0)),
            pl.BlockSpec((_D, _C), lambda i: (0, 0)),
            pl.BlockSpec((1, _C), lambda i: (0, 0)),
        ],
        out_specs=pl.BlockSpec((_BB, _C), lambda i: (i, 0)),
    )(pooled, len_col, w_t, bias_row)


def kernel(x, x_len, table, fc_w, fc_b):
    x32 = x.astype(jnp.int32)
    pooled = _sc_pool(x32, table)
    len_col = x_len.astype(jnp.float32).reshape(_B, 1)
    return _fc(pooled, len_col, fc_w.T, fc_b.reshape(1, _C))

# --- scband reference (transcript-rebuilt; emitter-appended) ---
"""Pipeline reference for scband-fast-text-17763984736901 (READ-ONLY COPY).

The authoritative reference and input builder live on the scoring server;
editing this copy changes nothing except your own understanding.
"""

import jax, jax.numpy as jnp
import numpy as np

VOCAB = 1000000
EMBED_DIM = 64
NUM_CLASSES = 128
BATCH = 4096
HIST = 200


def setup_inputs(seed: int = 0) -> dict:
    key = jax.random.key(seed)
    k1, k2, k3, k4 = jax.random.split(key, 4)
    x = jax.random.randint(k1, (BATCH, HIST), 0, VOCAB)
    # x_len is used as a divisor (sequence lengths); use ones to guarantee no div-by-zero
    x_len = jnp.ones((BATCH,), dtype=jnp.int32)
    # embedding table (padding_idx=0 -> row 0 is zero)
    table = jax.random.normal(k2, (VOCAB, EMBED_DIM), dtype=jnp.float32) * 0.02
    table = table.at[0].set(0.0)
    # fc: xavier_uniform weight, uniform bias (as in init_linears)
    limit = float(np.sqrt(6.0 / (EMBED_DIM + NUM_CLASSES)))
    fc_w = jax.random.uniform(k3, (NUM_CLASSES, EMBED_DIM), minval=-limit, maxval=limit, dtype=jnp.float32)
    fc_b = jax.random.uniform(k4, (NUM_CLASSES,), dtype=jnp.float32)
    return {"x": x, "x_len": x_len, "table": table, "fc_w": fc_w, "fc_b": fc_b}


def reference(x, x_len, table, fc_w, fc_b):
    # padding_idx=0 semantics: row 0 contributes zero
    t = table.at[0].set(0.0)
    # torch forward: x.T -> embed [L,B,D] -> permute back -> [B,L,D]; net effect is table[x]
    embed = jnp.take(t, x, axis=0)            # [B, L, D]
    summed = jnp.sum(embed, axis=1)           # [B, D]
    denom = x_len.astype(jnp.float32)[:, None]  # [B, 1]
    pooled = summed / denom                   # mean-by-length pooling
    # use_dropout=0 and use_bn=0 -> straight to fc
    out = pooled @ fc_w.T + fc_b              # [B, NUM_CLASSES]
    return out

if __name__ == "__main__":
    import jax
    _d = setup_inputs()
    print(jax.jit(kernel)(*tuple(_d.values())))

</pallas_src>

<mosaic_0001>
#map = affine_map<(d0, d1) -> (0, 0)>
module attributes {stable_mosaic.version = 14 : i64} {
  func.func @_sc_pool_body(%arg0: i32, %arg1: i32, %arg2: memref<4096x200xi32, #tpu.memory_space<hbm>>, %arg3: memref<1000000x64xf32, #tpu.memory_space<hbm>>, %arg4: memref<4096x64xf32, #tpu.memory_space<hbm>>, %arg5: memref<128x200xi32, #tpu.memory_space<vmem>>, %arg6: memref<2x200x64xf32, #tpu.memory_space<vmem>>, %arg7: memref<128x64xf32, #tpu.memory_space<vmem>>, %arg8: memref<!tpu.dma_semaphore, #tpu.memory_space<semaphore_mem>>, %arg9: memref<!tpu.dma_semaphore, #tpu.memory_space<semaphore_mem>>, %arg10: memref<!tpu.dma_semaphore, #tpu.memory_space<semaphore_mem>>, %arg11: memref<!tpu.dma_semaphore, #tpu.memory_space<semaphore_mem>>) attributes {dimension_semantics = [#tpu.dimension_semantics<core_parallel>, #tpu.dimension_semantics<subcore_parallel>], iteration_bounds = array<i64: 2, 16>, scalar_prefetch = 0 : i64, scratch_operands = 7 : i64, tpu.core_type = #tpu.core_type<sc_vector_subcore>, window_params = [{transform_indices = #map}, {transform_indices = #map}, {transform_indices = #map}]} {
    %mul3A = arith.constant 16 : i32
    %mul3A_0 = arith.muli %arg0, %mul3A : i32
    %add3A = arith.addi %mul3A_0, %arg1 : i32
    %mul3A_1 = arith.constant 128 : i32
    %mul3A_2 = arith.muli %add3A, %mul3A_1 : i32
    "tpu.region"() ({
      %run_scoped3A = tpu.sem_alloc : memref<!tpu.dma_semaphore, #tpu.memory_space<semaphore_mem>>
      %dma_start3A_55 = arith.constant 0 : i32
      %dma_start3A_56 = tpu.memref_slice %arg2[%mul3A_2, %dma_start3A_55] : memref<4096x200xi32, #tpu.memory_space<hbm>> -> memref<128x200xi32, #tpu.memory_space<hbm>>
      %dma_start3A_57 = arith.constant 0 : i32
      %dma_start3A_58 = tpu.memref_slice %arg2[%mul3A_2, %dma_start3A_57] : memref<4096x200xi32, #tpu.memory_space<hbm>> -> memref<128x200xi32, #tpu.memory_space<hbm>>
      tpu.enqueue_dma source(%dma_start3A_58 : memref<128x200xi32, #tpu.memory_space<hbm>>) target(%arg5 : memref<128x200xi32, #tpu.memory_space<vmem>>) target_semaphore(%run_scoped3A : memref<!tpu.dma_semaphore, #tpu.memory_space<semaphore_mem>>)
      %dma_wait3A = arith.constant 0 : i32
      %dma_wait3A_59 = tpu.memref_slice %arg2[%mul3A_2, %dma_wait3A] : memref<4096x200xi32, #tpu.memory_space<hbm>> -> memref<128x200xi32, #tpu.memory_space<hbm>>
      %dma_wait3A_60 = arith.constant 0 : i32
      %dma_wait3A_61 = tpu.memref_slice %arg2[%mul3A_2, %dma_wait3A_60] : memref<4096x200xi32, #tpu.memory_space<hbm>> -> memref<128x200xi32, #tpu.memory_space<hbm>>
      tpu.wait_dma2 semaphore(%run_scoped3A : memref<!tpu.dma_semaphore, #tpu.memory_space<semaphore_mem>>) src(%dma_wait3A_61 : memref<128x200xi32, #tpu.memory_space<hbm>>) dst(%arg5 : memref<128x200xi32, #tpu.memory_space<vmem>>)
      tpu.yield
    }) : () -> ()
    %dma_start3A = arith.constant 0 : i32
    %dma_start3A_3 = arith.constant 0 : i32
    %dma_start3A_4 = arith.constant 0 : i32
    %dma_start3A_5 = arith.constant 0 : i32
    %dma_start3A_6 = tpu.memref_slice %arg6[%dma_start3A_3, %dma_start3A_4, %dma_start3A_5] : memref<2x200x64xf32, #tpu.memory_space<vmem>> -> memref<1x128x64xf32, #tpu.memory_space<vmem>>
    %dma_start3A_7 = tpu.memref_squeeze %dma_start3A_6 : memref<1x128x64xf32, #tpu.memory_space<vmem>> -> memref<128x64xf32, #tpu.memory_space<vmem>>
    %dma_start3A_8 = arith.constant 0 : i32
    %dma_start3A_9 = tpu.memref_slice %arg5[%dma_start3A, %dma_start3A_8] : memref<128x200xi32, #tpu.memory_space<vmem>> -> memref<1x128xi32, #tpu.memory_space<vmem>>
    %dma_start3A_10 = tpu.memref_squeeze %dma_start3A_9 : memref<1x128xi32, #tpu.memory_space<vmem>> -> memref<128xi32, #tpu.memory_space<vmem>>
    %dma_start3A_11 = arith.constant 0 : i32
    %dma_start3A_12 = arith.constant 0 : i32
    %dma_start3A_13 = tpu.memref_slice %arg3[%dma_start3A_11, %dma_start3A_12] : memref<1000000x64xf32, #tpu.memory_space<hbm>> -> memref<1000000x64xf32, #tpu.memory_space<hbm>>
    tpu.enqueue_indirect_dma source(%dma_start3A_13 : memref<1000000x64xf32, #tpu.memory_space<hbm>>) target(%dma_start3A_7 : memref<128x64xf32, #tpu.memory_space<vmem>>) offsets(%dma_start3A_10 : memref<128xi32, #tpu.memory_space<vmem>>) semaphore(%arg8 : memref<!tpu.dma_semaphore, #tpu.memory_space<semaphore_mem>>)
    %dma_start3A_14 = arith.constant 0 : i32
    %dma_start3A_15 = arith.constant 0 : i32
    %dma_start3A_16 = arith.constant 128 : i32
    %dma_start3A_17 = arith.constant 0 : i32
    %dma_start3A_18 = tpu.memref_slice %arg6[%dma_start3A_15, %dma_start3A_16, %dma_start3A_17] : memref<2x200x64xf32, #tpu.memory_space<vmem>> -> memref<1x72x64xf32, #tpu.memory_space<vmem>>
    %dma_start3A_19 = tpu.memref_squeeze %dma_start3A_18 : memref<1x72x64xf32, #tpu.memory_space<vmem>> -> memref<72x64xf32, #tpu.memory_space<vmem>>
    %dma_start3A_20 = arith.constant 128 : i32
    %dma_start3A_21 = tpu.memref_slice %arg5[%dma_start3A_14, %dma_start3A_20] : memref<128x200xi32, #tpu.memory_space<vmem>> -> memref<1x72xi32, #tpu.memory_space<vmem>>
    %dma_start3A_22 = tpu.memref_squeeze %dma_start3A_21 : memref<1x72xi32, #tpu.memory_space<vmem>> -> memref<72xi32, #tpu.memory_space<vmem>>
    %dma_start3A_23 = arith.constant 0 : i32
    %dma_start3A_24 = arith.constant 0 : i32
    %dma_start3A_25 = tpu.memref_slice %arg3[%dma_start3A_23, %dma_start3A_24] : memref<1000000x64xf32, #tpu.memory_space<hbm>> -> memref<1000000x64xf32, #tpu.memory_space<hbm>>
    tpu.enqueue_indirect_dma source(%dma_start3A_25 : memref<1000000x64xf32, #tpu.memory_space<hbm>>) target(%dma_start3A_19 : memref<72x64xf32, #tpu.memory_space<vmem>>) offsets(%dma_start3A_22 : memref<72xi32, #tpu.memory_space<vmem>>) semaphore(%arg9 : memref<!tpu.dma_semaphore, #tpu.memory_space<semaphore_mem>>)
    %dma_start3A_26 = arith.constant 1 : i32
    %dma_start3A_27 = arith.constant 1 : i32
    %dma_start3A_28 = arith.constant 0 : i32
    %dma_start3A_29 = arith.constant 0 : i32
    %dma_start3A_30 = tpu.memref_slice %arg6[%dma_start3A_27, %dma_start3A_28, %dma_start3A_29] : memref<2x200x64xf32, #tpu.memory_space<vmem>> -> memref<1x128x64xf32, #tpu.memory_space<vmem>>
    %dma_start3A_31 = tpu.memref_squeeze %dma_start3A_30 : memref<1x128x64xf32, #tpu.memory_space<vmem>> -> memref<128x64xf32, #tpu.memory_space<vmem>>
    %dma_start3A_32 = arith.constant 0 : i32
    %dma_start3A_33 = tpu.memref_slice %arg5[%dma_start3A_26, %dma_start3A_32] : memref<128x200xi32, #tpu.memory_space<vmem>> -> memref<1x128xi32, #tpu.memory_space<vmem>>
    %dma_start3A_34 = tpu.memref_squeeze %dma_start3A_33 : memref<1x128xi32, #tpu.memory_space<vmem>> -> memref<128xi32, #tpu.memory_space<vmem>>
    %dma_start3A_35 = arith.constant 0 : i32
    %dma_start3A_36 = arith.constant 0 : i32
    %dma_start3A_37 = tpu.memref_slice %arg3[%dma_start3A_35, %dma_start3A_36] : memref<1000000x64xf32, #tpu.memory_space<hbm>> -> memref<1000000x64xf32, #tpu.memory_space<hbm>>
    tpu.enqueue_indirect_dma source(%dma_start3A_37 : memref<1000000x64xf32, #tpu.memory_space<hbm>>) target(%dma_start3A_31 : memref<128x64xf32, #tpu.memory_space<vmem>>) offsets(%dma_start3A_34 : memref<128xi32, #tpu.memory_space<vmem>>) semaphore(%arg10 : memref<!tpu.dma_semaphore, #tpu.memory_space<semaphore_mem>>)
    %dma_start3A_38 = arith.constant 1 : i32
    %dma_start3A_39 = arith.constant 1 : i32
    %dma_start3A_40 = arith.constant 128 : i32
    %dma_start3A_41 = arith.constant 0 : i32
    %dma_start3A_42 = tpu.memref_slice %arg6[%dma_start3A_39, %dma_start3A_40, %dma_start3A_41] : memref<2x200x64xf32, #tpu.memory_space<vmem>> -> memref<1x72x64xf32, #tpu.memory_space<vmem>>
    %dma_start3A_43 = tpu.memref_squeeze %dma_start3A_42 : memref<1x72x64xf32, #tpu.memory_space<vmem>> -> memref<72x64xf32, #tpu.memory_space<vmem>>
    %dma_start3A_44 = arith.constant 128 : i32
    %dma_start3A_45 = tpu.memref_slice %arg5[%dma_start3A_38, %dma_start3A_44] : memref<128x200xi32, #tpu.memory_space<vmem>> -> memref<1x72xi32, #tpu.memory_space<vmem>>
    %dma_start3A_46 = tpu.memref_squeeze %dma_start3A_45 : memref<1x72xi32, #tpu.memory_space<vmem>> -> memref<72xi32, #tpu.memory_space<vmem>>
    %dma_start3A_47 = arith.constant 0 : i32
    %dma_start3A_48 = arith.constant 0 : i32
    %dma_start3A_49 = tpu.memref_slice %arg3[%dma_start3A_47, %dma_start3A_48] : memref<1000000x64xf32, #tpu.memory_space<hbm>> -> memref<1000000x64xf32, #tpu.memory_space<hbm>>
    tpu.enqueue_indirect_dma source(%dma_start3A_49 : memref<1000000x64xf32, #tpu.memory_space<hbm>>) target(%dma_start3A_43 : memref<72x64xf32, #tpu.memory_space<vmem>>) offsets(%dma_start3A_46 : memref<72xi32, #tpu.memory_space<vmem>>) semaphore(%arg11 : memref<!tpu.dma_semaphore, #tpu.memory_space<semaphore_mem>>)
    %scan3A = arith.constant 0 : i32
    %scan3A_50 = arith.constant 0 : i32
    %scan3A_51 = arith.constant 64 : i32
    %scan3A_52 = arith.addi %scan3A_50, %scan3A_51 : i32
    %scan3A_53 = arith.constant 1 : i32
    scf.for %scan3A_55 = %scan3A_50 to %scan3A_52 step %scan3A_53  : i32 {
      %mul3A_56 = arith.constant 2 : i32
      %mul3A_57 = arith.muli %scan3A_55, %mul3A_56 : i32
      %add3A_58 = arith.constant 0 : i32
      %add3A_59 = arith.addi %mul3A_57, %add3A_58 : i32
      %dma_wait3A = arith.constant 0 : i32
      %dma_wait3A_60 = arith.constant 0 : i32
      %dma_wait3A_61 = arith.constant 0 : i32
      %dma_wait3A_62 = tpu.memref_slice %arg6[%dma_wait3A, %dma_wait3A_60, %dma_wait3A_61] : memref<2x200x64xf32, #tpu.memory_space<vmem>> -> memref<1x128x64xf32, #tpu.memory_space<vmem>>
      %dma_wait3A_63 = tpu.memref_squeeze %dma_wait3A_62 : memref<1x128x64xf32, #tpu.memory_space<vmem>> -> memref<128x64xf32, #tpu.memory_space<vmem>>
      %dma_wait3A_64 = arith.constant 0 : i32
      %dma_wait3A_65 = arith.constant 0 : i32
      %dma_wait3A_66 = tpu.memref_slice %arg3[%dma_wait3A_64, %dma_wait3A_65] : memref<1000000x64xf32, #tpu.memory_space<hbm>> -> memref<128x64xf32, #tpu.memory_space<hbm>>
      %dma_wait3A_67 = arith.constant 0 : i32
      %dma_wait3A_68 = arith.constant 0 : i32
      %dma_wait3A_69 = tpu.memref_slice %arg6[%dma_wait3A, %dma_wait3A_67, %dma_wait3A_68] : memref<2x200x64xf32, #tpu.memory_space<vmem>> -> memref<1x128x64xf32, #tpu.memory_space<vmem>>
      %dma_wait3A_70 = tpu.memref_squeeze %dma_wait3A_69 : memref<1x128x64xf32, #tpu.memory_space<vmem>> -> memref<128x64xf32, #tpu.memory_space<vmem>>
      %dma_wait3A_71 = arith.constant 0 : i32
      %dma_wait3A_72 = arith.constant 0 : i32
      %dma_wait3A_73 = tpu.memref_slice %arg3[%dma_wait3A_71, %dma_wait3A_72] : memref<1000000x64xf32, #tpu.memory_space<hbm>> -> memref<128x64xf32, #tpu.memory_space<hbm>>
      tpu.wait_dma2 semaphore(%arg8 : memref<!tpu.dma_semaphore, #tpu.memory_space<semaphore_mem>>) src(%dma_wait3A_73 : memref<128x64xf32, #tpu.memory_space<hbm>>) dst(%dma_wait3A_70 : memref<128x64xf32, #tpu.memory_space<vmem>>)
      %dma_wait3A_74 = arith.constant 0 : i32
      %dma_wait3A_75 = arith.constant 128 : i32
      %dma_wait3A_76 = arith.constant 0 : i32
      %dma_wait3A_77 = tpu.memref_slice %arg6[%dma_wait3A_74, %dma_wait3A_75, %dma_wait3A_76] : memref<2x200x64xf32, #tpu.memory_space<vmem>> -> memref<1x72x64xf32, #tpu.memory_space<vmem>>
      %dma_wait3A_78 = tpu.memref_squeeze %dma_wait3A_77 : memref<1x72x64xf32, #tpu.memory_space<vmem>> -> memref<72x64xf32, #tpu.memory_space<vmem>>
      %dma_wait3A_79 = arith.constant 0 : i32
      %dma_wait3A_80 = arith.constant 0 : i32
      %dma_wait3A_81 = tpu.memref_slice %arg3[%dma_wait3A_79, %dma_wait3A_80] : memref<1000000x64xf32, #tpu.memory_space<hbm>> -> memref<72x64xf32, #tpu.memory_space<hbm>>
      %dma_wait3A_82 = arith.constant 128 : i32
      %dma_wait3A_83 = arith.constant 0 : i32
      %dma_wait3A_84 = tpu.memref_slice %arg6[%dma_wait3A_74, %dma_wait3A_82, %dma_wait3A_83] : memref<2x200x64xf32, #tpu.memory_space<vmem>> -> memref<1x72x64xf32, #tpu.memory_space<vmem>>
      %dma_wait3A_85 = tpu.memref_squeeze %dma_wait3A_84 : memref<1x72x64xf32, #tpu.memory_space<vmem>> -> memref<72x64xf32, #tpu.memory_space<vmem>>
      %dma_wait3A_86 = arith.constant 0 : i32
      %dma_wait3A_87 = arith.constant 0 : i32
      %dma_wait3A_88 = tpu.memref_slice %arg3[%dma_wait3A_86, %dma_wait3A_87] : memref<1000000x64xf32, #tpu.memory_space<hbm>> -> memref<72x64xf32, #tpu.memory_space<hbm>>
      tpu.wait_dma2 semaphore(%arg9 : memref<!tpu.dma_semaphore, #tpu.memory_space<semaphore_mem>>) src(%dma_wait3A_88 : memref<72x64xf32, #tpu.memory_space<hbm>>) dst(%dma_wait3A_85 : memref<72x64xf32, #tpu.memory_space<vmem>>)
      %broadcast_in_dim3A = arith.constant 0.000000e+00 : f32
      %broadcast_in_dim3A_89 = vector.broadcast %broadcast_in_dim3A : f32 to vector<16xf32>
      %scan3A_90 = arith.constant 0 : i32
      %scan3A_91 = arith.constant 25 : i32
      %scan3A_92 = arith.addi %scan3A_90, %scan3A_91 : i32
      %scan3A_93 = arith.constant 1 : i32
      %scan3A_94:4 = scf.for %scan3A_188 = %scan3A_90 to %scan3A_92 step %scan3A_93 iter_args(%scan3A_189 = %broadcast_in_dim3A_89, %scan3A_190 = %broadcast_in_dim3A_89, %scan3A_191 = %broadcast_in_dim3A_89, %scan3A_192 = %broadcast_in_dim3A_89) -> (vector<16xf32>, vector<16xf32>, vector<16xf32>, vector<16xf32>)  : i32 {
        %mul3A_193 = arith.constant 8 : i32
        %mul3A_194 = arith.muli %scan3A_188, %mul3A_193 : i32
        %add3A_195 = arith.constant 0 : i32
        %add3A_196 = arith.addi %mul3A_194, %add3A_195 : i32
        %get3A = arith.constant 0 : i32
        %get3A_197 = arith.index_cast %get3A : i32 to index
        %get3A_198 = arith.index_cast %add3A_196 : i32 to index
        %get3A_199 = arith.constant 0 : index
        %get3A_200 = tpu.vector_load %arg6[%get3A_197, %get3A_198, %get3A_199] {strides = array<i32>} : memref<2x200x64xf32, #tpu.memory_space<vmem>>, vector<1x1x16xf32>,
        %get3A_201 = vector.shape_cast %get3A_200 : vector<1x1x16xf32> to vector<16xf32>
        %add3A_202 = arith.addf %scan3A_189, %get3A_201 : vector<16xf32>
        %get3A_203 = arith.constant 0 : i32
        %get3A_204 = arith.index_cast %get3A_203 : i32 to index
        %get3A_205 = arith.index_cast %add3A_196 : i32 to index
        %get3A_206 = arith.constant 16 : index
        %get3A_207 = tpu.vector_load %arg6[%get3A_204, %get3A_205, %get3A_206] {strides = array<i32>} : memref<2x200x64xf32, #tpu.memory_space<vmem>>, vector<1x1x16xf32>,
        %get3A_208 = vector.shape_cast %get3A_207 : vector<1x1x16xf32> to vector<16xf32>
        %add3A_209 = arith.addf %scan3A_190, %get3A_208 : vector<16xf32>
        %get3A_210 = arith.constant 0 : i32
        %get3A_211 = arith.index_cast %get3A_210 : i32 to index
        %get3A_212 = arith.index_cast %add3A_196 : i32 to index
        %get3A_213 = arith.constant 32 : index
        %get3A_214 = tpu.vector_load %arg6[%get3A_211, %get3A_212, %get3A_213] {strides = array<i32>} : memref<2x200x64xf32, #tpu.memory_space<vmem>>, vector<1x1x16xf32>,
        %get3A_215 = vector.shape_cast %get3A_214 : vector<1x1x16xf32> to vector<16xf32>
        %add3A_216 = arith.addf %scan3A_191, %get3A_215 : vector<16xf32>
        %get3A_217 = arith.constant 0 : i32
        %get3A_218 = arith.index_cast %get3A_217 : i32 to index
        %get3A_219 = arith.index_cast %add3A_196 : i32 to index
        %get3A_220 = arith.constant 48 : index
        %get3A_221 = tpu.vector_load %arg6[%get3A_218, %get3A_219, %get3A_220] {strides = array<i32>} : memref<2x200x64xf32, #tpu.memory_space<vmem>>, vector<1x1x16xf32>,
        %get3A_222 = vector.shape_cast %get3A_221 : vector<1x1x16xf32> to vector<16xf32>
        %add3A_223 = arith.addf %scan3A_192, %get3A_222 : vector<16xf32>
        %mul3A_224 = arith.constant 8 : i32
        %mul3A_225 = arith.muli %scan3A_188, %mul3A_224 : i32
        %add3A_226 = arith.constant 1 : i32
        %add3A_227 = arith.addi %mul3A_225, %add3A_226 : i32
        %get3A_228 = arith.constant 0 : i32
        %get3A_229 = arith.index_cast %get3A_228 : i32 to index
        %get3A_230 = arith.index_cast %add3A_227 : i32 to index
        %get3A_231 = arith.constant 0 : index
        %get3A_232 = tpu.vector_load %arg6[%get3A_229, %get3A_230, %get3A_231] {strides = array<i32>} : memref<2x200x64xf32, #tpu.memory_space<vmem>>, vector<1x1x16xf32>,
        %get3A_233 = vector.shape_cast %get3A_232 : vector<1x1x16xf32> to vector<16xf32>
        %add3A_234 = arith.addf %add3A_202, %get3A_233 : vector<16xf32>
        %get3A_235 = arith.constant 0 : i32
        %get3A_236 = arith.index_cast %get3A_235 : i32 to index
        %get3A_237 = arith.index_cast %add3A_227 : i32 to index
        %get3A_238 = arith.constant 16 : index
        %get3A_239 = tpu.vector_load %arg6[%get3A_236, %get3A_237, %get3A_238] {strides = array<i32>} : memref<2x200x64xf32, #tpu.memory_space<vmem>>, vector<1x1x16xf32>,
        %get3A_240 = vector.shape_cast %get3A_239 : vector<1x1x16xf32> to vector<16xf32>
        %add3A_241 = arith.addf %add3A_209, %get3A_240 : vector<16xf32>
        %get3A_242 = arith.constant 0 : i32
        %get3A_243 = arith.index_cast %get3A_242 : i32 to index
        %get3A_244 = arith.index_cast %add3A_227 : i32 to index
        %get3A_245 = arith.constant 32 : index
        %get3A_246 = tpu.vector_load %arg6[%get3A_243, %get3A_244, %get3A_245] {strides = array<i32>} : memref<2x200x64xf32, #tpu.memory_space<vmem>>, vector<1x1x16xf32>,
        %get3A_247 = vector.shape_cast %get3A_246 : vector<1x1x16xf32> to vector<16xf32>
        %add3A_248 = arith.addf %add3A_216, %get3A_247 : vector<16xf32>
        %get3A_249 = arith.constant 0 : i32
        %get3A_250 = arith.index_cast %get3A_249 : i32 to index
        %get3A_251 = arith.index_cast %add3A_227 : i32 to index
        %get3A_252 = arith.constant 48 : index
        %get3A_253 = tpu.vector_load %arg6[%get3A_250, %get3A_251, %get3A_252] {strides = array<i32>} : memref<2x200x64xf32, #tpu.memory_space<vmem>>, vector<1x1x16xf32>,
        %get3A_254 = vector.shape_cast %get3A_253 : vector<1x1x16xf32> to vector<16xf32>
        %add3A_255 = arith.addf %add3A_223, %get3A_254 : vector<16xf32>
        %mul3A_256 = arith.constant 8 : i32
        %mul3A_257 = arith.muli %scan3A_188, %mul3A_256 : i32
        %add3A_258 = arith.constant 2 : i32
        %add3A_259 = arith.addi %mul3A_257, %add3A_258 : i32
        %get3A_260 = arith.constant 0 : i32
        %get3A_261 = arith.index_cast %get3A_260 : i32 to index
        %get3A_262 = arith.index_cast %add3A_259 : i32 to index
        %get3A_263 = arith.constant 0 : index
        %get3A_264 = tpu.vector_load %arg6[%get3A_261, %get3A_262, %get3A_263] {strides = array<i32>} : memref<2x200x64xf32, #tpu.memory_space<vmem>>, vector<1x1x16xf32>,
        %get3A_265 = vector.shape_cast %get3A_264 : vector<1x1x16xf32> to vector<16xf32>
        %add3A_266 = arith.addf %add3A_234, %get3A_265 : vector<16xf32>
        %get3A_267 = arith.constant 0 : i32
        %get3A_268 = arith.index_cast %get3A_267 : i32 to index
        %get3A_269 = arith.index_cast %add3A_259 : i32 to index
        %get3A_270 = arith.constant 16 : index
        %get3A_271 = tpu.vector_load %arg6[%get3A_268, %get3A_269, %get3A_270] {strides = array<i32>} : memref<2x200x64xf32, #tpu.memory_space<vmem>>, vector<1x1x16xf32>,
        %get3A_272 = vector.shape_cast %get3A_271 : vector<1x1x16xf32> to vector<16xf32>
        %add3A_273 = arith.addf %add3A_241, %get3A_272 : vector<16xf32>
        %get3A_274 = arith.constant 0 : i32
        %get3A_275 = arith.index_cast %get3A_274 : i32 to index
        %get3A_276 = arith.index_cast %add3A_259 : i32 to index
        %get3A_277 = arith.constant 32 : index
        %get3A_278 = tpu.vector_load %arg6[%get3A_275, %get3A_276, %get3A_277] {strides = array<i32>} : memref<2x200x64xf32, #tpu.memory_space<vmem>>, vector<1x1x16xf32>,
        %get3A_279 = vector.shape_cast %get3A_278 : vector<1x1x16xf32> to vector<16xf32>
        %add3A_280 = arith.addf %add3A_248, %get3A_279 : vector<16xf32>
        %get3A_281 = arith.constant 0 : i32
        %get3A_282 = arith.index_cast %get3A_281 : i32 to index
        %get3A_283 = arith.index_cast %add3A_259 : i32 to index
        %get3A_284 = arith.constant 48 : index
        %get3A_285 = tpu.vector_load %arg6[%get3A_282, %get3A_283, %get3A_284] {strides = array<i32>} : memref<2x200x64xf32, #tpu.memory_space<vmem>>, vector<1x1x16xf32>,
        %get3A_286 = vector.shape_cast %get3A_285 : vector<1x1x16xf32> to vector<16xf32>
        %add3A_287 = arith.addf %add3A_255, %get3A_286 : vector<16xf32>
        %mul3A_288 = arith.constant 8 : i32
        %mul3A_289 = arith.muli %scan3A_188, %mul3A_288 : i32
        %add3A_290 = arith.constant 3 : i32
        %add3A_291 = arith.addi %mul3A_289, %add3A_290 : i32
        %get3A_292 = arith.constant 0 : i32
        %get3A_293 = arith.index_cast %get3A_292 : i32 to index
        %get3A_294 = arith.index_cast %add3A_291 : i32 to index
        %get3A_295 = arith.constant 0 : index
        %get3A_296 = tpu.vector_load %arg6[%get3A_293, %get3A_294, %get3A_295] {strides = array<i32>} : memref<2x200x64xf32, #tpu.memory_space<vmem>>, vector<1x1x16xf32>,
        %get3A_297 = vector.shape_cast %get3A_296 : vector<1x1x16xf32> to vector<16xf32>
        %add3A_298 = arith.addf %add3A_266, %get3A_297 : vector<16xf32>
        %get3A_299 = arith.constant 0 : i32
        %get3A_300 = arith.index_cast %get3A_299 : i32 to index
        %get3A_301 = arith.index_cast %add3A_291 : i32 to index
        %get3A_302 = arith.constant 16 : index
        %get3A_303 = tpu.vector_load %arg6[%get3A_300, %get3A_301, %get3A_302] {strides = array<i32>} : memref<2x200x64xf32, #tpu.memory_space<vmem>>, vector<1x1x16xf32>,
        %get3A_304 = vector.shape_cast %get3A_303 : vector<1x1x16xf32> to vector<16xf32>
        %add3A_305 = arith.addf %add3A_273, %get3A_304 : vector<16xf32>
        %get3A_306 = arith.constant 0 : i32
        %get3A_307 = arith.index_cast %get3A_306 : i32 to index
        %get3A_308 = arith.index_cast %add3A_291 : i32 to index
        %get3A_309 = arith.constant 32 : index
        %get3A_310 = tpu.vector_load %arg6[%get3A_307, %get3A_308, %get3A_309] {strides = array<i32>} : memref<2x200x64xf32, #tpu.memory_space<vmem>>, vector<1x1x16xf32>,
        %get3A_311 = vector.shape_cast %get3A_310 : vector<1x1x16xf32> to vector<16xf32>
        %add3A_312 = arith.addf %add3A_280, %get3A_311 : vector<16xf32>
        %get3A_313 = arith.constant 0 : i32
        %get3A_314 = arith.index_cast %get3A_313 : i32 to index
        %get3A_315 = arith.index_cast %add3A_291 : i32 to index
        %get3A_316 = arith.constant 48 : index
        %get3A_317 = tpu.vector_load %arg6[%get3A_314, %get3A_315, %get3A_316] {strides = array<i32>} : memref<2x200x64xf32, #tpu.memory_space<vmem>>, vector<1x1x16xf32>,
        %get3A_318 = vector.shape_cast %get3A_317 : vector<1x1x16xf32> to vector<16xf32>
        %add3A_319 = arith.addf %add3A_287, %get3A_318 : vector<16xf32>
        %mul3A_320 = arith.constant 8 : i32
        %mul3A_321 = arith.muli %scan3A_188, %mul3A_320 : i32
        %add3A_322 = arith.constant 4 : i32
        %add3A_323 = arith.addi %mul3A_321, %add3A_322 : i32
        %get3A_324 = arith.constant 0 : i32
        %get3A_325 = arith.index_cast %get3A_324 : i32 to index
        %get3A_326 = arith.index_cast %add3A_323 : i32 to index
        %get3A_327 = arith.constant 0 : index
        %get3A_328 = tpu.vector_load %arg6[%get3A_325, %get3A_326, %get3A_327] {strides = array<i32>} : memref<2x200x64xf32, #tpu.memory_space<vmem>>, vector<1x1x16xf32>,
        %get3A_329 = vector.shape_cast %get3A_328 : vector<1x1x16xf32> to vector<16xf32>
        %add3A_330 = arith.addf %add3A_298, %get3A_329 : vector<16xf32>
        %get3A_331 = arith.constant 0 : i32
        %get3A_332 = arith.index_cast %get3A_331 : i32 to index
        %get3A_333 = arith.index_cast %add3A_323 : i32 to index
        %get3A_334 = arith.constant 16 : index
        %get3A_335 = tpu.vector_load %arg6[%get3A_332, %get3A_333, %get3A_334] {strides = array<i32>} : memref<2x200x64xf32, #tpu.memory_space<vmem>>, vector<1x1x16xf32>,
        %get3A_336 = vector.shape_cast %get3A_335 : vector<1x1x16xf32> to vector<16xf32>
        %add3A_337 = arith.addf %add3A_305, %get3A_336 : vector<16xf32>
        %get3A_338 = arith.constant 0 : i32
        %get3A_339 = arith.index_cast %get3A_338 : i32 to index
        %get3A_340 = arith.index_cast %add3A_323 : i32 to index
        %get3A_341 = arith.constant 32 : index
        %get3A_342 = tpu.vector_load %arg6[%get3A_339, %get3A_340, %get3A_341] {strides = array<i32>} : memref<2x200x64xf32, #tpu.memory_space<vmem>>, vector<1x1x16xf32>,
        %get3A_343 = vector.shape_cast %get3A_342 : vector<1x1x16xf32> to vector<16xf32>
        %add3A_344 = arith.addf %add3A_312, %get3A_343 : vector<16xf32>
        %get3A_345 = arith.constant 0 : i32
        %get3A_346 = arith.index_cast %get3A_345 : i32 to index
        %get3A_347 = arith.index_cast %add3A_323 : i32 to index
        %get3A_348 = arith.constant 48 : index
        %get3A_349 = tpu.vector_load %arg6[%get3A_346, %get3A_347, %get3A_348] {strides = array<i32>} : memref<2x200x64xf32, #tpu.memory_space<vmem>>, vector<1x1x16xf32>,
        %get3A_350 = vector.shape_cast %get3A_349 : vector<1x1x16xf32> to vector<16xf32>
        %add3A_351 = arith.addf %add3A_319, %get3A_350 : vector<16xf32>
        %mul3A_352 = arith.constant 8 : i32
        %mul3A_353 = arith.muli %scan3A_188, %mul3A_352 : i32
        %add3A_354 = arith.constant 5 : i32
        %add3A_355 = arith.addi %mul3A_353, %add3A_354 : i32
        %get3A_356 = arith.constant 0 : i32
        %get3A_357 = arith.index_cast %get3A_356 : i32 to index
        %get3A_358 = arith.index_cast %add3A_355 : i32 to index
        %get3A_359 = arith.constant 0 : index
        %get3A_360 = tpu.vector_load %arg6[%get3A_357, %get3A_358, %get3A_359] {strides = array<i32>} : memref<2x200x64xf32, #tpu.memory_space<vmem>>, vector<1x1x16xf32>,
        %get3A_361 = vector.shape_cast %get3A_360 : vector<1x1x16xf32> to vector<16xf32>
        %add3A_362 = arith.addf %add3A_330, %get3A_361 : vector<16xf32>
        %get3A_363 = arith.constant 0 : i32
        %get3A_364 = arith.index_cast %get3A_363 : i32 to index
        %get3A_365 = arith.index_cast %add3A_355 : i32 to index
        %get3A_366 = arith.constant 16 : index
        %get3A_367 = tpu.vector_load %arg6[%get3A_364, %get3A_365, %get3A_366] {strides = array<i32>} : memref<2x200x64xf32, #tpu.memory_space<vmem>>, vector<1x1x16xf32>,
        %get3A_368 = vector.shape_cast %get3A_367 : vector<1x1x16xf32> to vector<16xf32>
        %add3A_369 = arith.addf %add3A_337, %get3A_368 : vector<16xf32>
        %get3A_370 = arith.constant 0 : i32
        %get3A_371 = arith.index_cast %get3A_370 : i32 to index
        %get3A_372 = arith.index_cast %add3A_355 : i32 to index
        %get3A_373 = arith.constant 32 : index
        %get3A_374 = tpu.vector_load %arg6[%get3A_371, %get3A_372, %get3A_373] {strides = array<i32>} : memref<2x200x64xf32, #tpu.memory_space<vmem>>, vector<1x1x16xf32>,
        %get3A_375 = vector.shape_cast %get3A_374 : vector<1x1x16xf32> to vector<16xf32>
        %add3A_376 = arith.addf %add3A_344, %get3A_375 : vector<16xf32>
        %get3A_377 = arith.constant 0 : i32
        %get3A_378 = arith.index_cast %get3A_377 : i32 to index
        %get3A_379 = arith.index_cast %add3A_355 : i32 to index
        %get3A_380 = arith.constant 48 : index
        %get3A_381 = tpu.vector_load %arg6[%get3A_378, %get3A_379, %get3A_380] {strides = array<i32>} : memref<2x200x64xf32, #tpu.memory_space<vmem>>, vector<1x1x16xf32>,
        %get3A_382 = vector.shape_cast %get3A_381 : vector<1x1x16xf32> to vector<16xf32>
        %add3A_383 = arith.addf %add3A_351, %get3A_382 : vector<16xf32>
        %mul3A_384 = arith.constant 8 : i32
        %mul3A_385 = arith.muli %scan3A_188, %mul3A_384 : i32
        %add3A_386 = arith.constant 6 : i32
        %add3A_387 = arith.addi %mul3A_385, %add3A_386 : i32
        %get3A_388 = arith.constant 0 : i32
        %get3A_389 = arith.index_cast %get3A_388 : i32 to index
        %get3A_390 = arith.index_cast %add3A_387 : i32 to index
        %get3A_391 = arith.constant 0 : index
        %get3A_392 = tpu.vector_load %arg6[%get3A_389, %get3A_390, %get3A_391] {strides = array<i32>} : memref<2x200x64xf32, #tpu.memory_space<vmem>>, vector<1x1x16xf32>,
        %get3A_393 = vector.shape_cast %get3A_392 : vector<1x1x16xf32> to vector<16xf32>
        %add3A_394 = arith.addf %add3A_362, %get3A_393 : vector<16xf32>
        %get3A_395 = arith.constant 0 : i32
        %get3A_396 = arith.index_cast %get3A_395 : i32 to index
        %get3A_397 = arith.index_cast %add3A_387 : i32 to index
        %get3A_398 = arith.constant 16 : index
        %get3A_399 = tpu.vector_load %arg6[%get3A_396, %get3A_397, %get3A_398] {strides = array<i32>} : memref<2x200x64xf32, #tpu.memory_space<vmem>>, vector<1x1x16xf32>,
        %get3A_400 = vector.shape_cast %get3A_399 : vector<1x1x16xf32> to vector<16xf32>
        %add3A_401 = arith.addf %add3A_369, %get3A_400 : vector<16xf32>
        %get3A_402 = arith.constant 0 : i32
        %get3A_403 = arith.index_cast %get3A_402 : i32 to index
        %get3A_404 = arith.index_cast %add3A_387 : i32 to index
        %get3A_405 = arith.constant 32 : index
        %get3A_406 = tpu.vector_load %arg6[%get3A_403, %get3A_404, %get3A_405] {strides = array<i32>} : memref<2x200x64xf32, #tpu.memory_space<vmem>>, vector<1x1x16xf32>,
        %get3A_407 = vector.shape_cast %get3A_406 : vector<1x1x16xf32> to vector<16xf32>
        %add3A_408 = arith.addf %add3A_376, %get3A_407 : vector<16xf32>
        %get3A_409 = arith.constant 0 : i32
        %get3A_410 = arith.index_cast %get3A_409 : i32 to index
        %get3A_411 = arith.index_cast %add3A_387 : i32 to index
        %get3A_412 = arith.constant 48 : index
        %get3A_413 = tpu.vector_load %arg6[%get3A_410, %get3A_411, %get3A_412] {strides = array<i32>} : memref<2x200x64xf32, #tpu.memory_space<vmem>>, vector<1x1x16xf32>,
        %get3A_414 = vector.shape_cast %get3A_413 : vector<1x1x16xf32> to vector<16xf32>
        %add3A_415 = arith.addf %add3A_383, %get3A_414 : vector<16xf32>
        %mul3A_416 = arith.constant 8 : i32
        %mul3A_417 = arith.muli %scan3A_188, %mul3A_416 : i32
        %add3A_418 = arith.constant 7 : i32
        %add3A_419 = arith.addi %mul3A_417, %add3A_418 : i32
        %get3A_420 = arith.constant 0 : i32
        %get3A_421 = arith.index_cast %get3A_420 : i32 to index
        %get3A_422 = arith.index_cast %add3A_419 : i32 to index
        %get3A_423 = arith.constant 0 : index
        %get3A_424 = tpu.vector_load %arg6[%get3A_421, %get3A_422, %get3A_423] {strides = array<i32>} : memref<2x200x64xf32, #tpu.memory_space<vmem>>, vector<1x1x16xf32>,
        %get3A_425 = vector.shape_cast %get3A_424 : vector<1x1x16xf32> to vector<16xf32>
        %add3A_426 = arith.addf %add3A_394, %get3A_425 : vector<16xf32>
        %get3A_427 = arith.constant 0 : i32
        %get3A_428 = arith.index_cast %get3A_427 : i32 to index
        %get3A_429 = arith.index_cast %add3A_419 : i32 to index
        %get3A_430 = arith.constant 16 : index
        %get3A_431 = tpu.vector_load %arg6[%get3A_428, %get3A_429, %get3A_430] {strides = array<i32>} : memref<2x200x64xf32, #tpu.memory_space<vmem>>, vector<1x1x16xf32>,
        %get3A_432 = vector.shape_cast %get3A_431 : vector<1x1x16xf32> to vector<16xf32>
        %add3A_433 = arith.addf %add3A_401, %get3A_432 : vector<16xf32>
        %get3A_434 = arith.constant 0 : i32
        %get3A_435 = arith.index_cast %get3A_434 : i32 to index
        %get3A_436 = arith.index_cast %add3A_419 : i32 to index
        %get3A_437 = arith.constant 32 : index
        %get3A_438 = tpu.vector_load %arg6[%get3A_435, %get3A_436, %get3A_437] {strides = array<i32>} : memref<2x200x64xf32, #tpu.memory_space<vmem>>, vector<1x1x16xf32>,
        %get3A_439 = vector.shape_cast %get3A_438 : vector<1x1x16xf32> to vector<16xf32>
        %add3A_440 = arith.addf %add3A_408, %get3A_439 : vector<16xf32>
        %get3A_441 = arith.constant 0 : i32
        %get3A_442 = arith.index_cast %get3A_441 : i32 to index
        %get3A_443 = arith.index_cast %add3A_419 : i32 to index
        %get3A_444 = arith.constant 48 : index
        %get3A_445 = tpu.vector_load %arg6[%get3A_442, %get3A_443, %get3A_444] {strides = array<i32>} : memref<2x200x64xf32, #tpu.memory_space<vmem>>, vector<1x1x16xf32>,
        %get3A_446 = vector.shape_cast %get3A_445 : vector<1x1x16xf32> to vector<16xf32>
        %add3A_447 = arith.addf %add3A_415, %get3A_446 : vector<16xf32>
        scf.yield %add3A_426, %add3A_433, %add3A_440, %add3A_447 : vector<16xf32>, vector<16xf32>, vector<16xf32>, vector<16xf32>
      }
      %scan3A_95 = arith.constant 25 : i32
      %swap3A = arith.index_cast %add3A_59 : i32 to index
      %swap3A_96 = arith.constant 0 : index
      %swap3A_97 = tpu.vector_load %arg7[%swap3A, %swap3A_96] {strides = array<i32>} : memref<128x64xf32, #tpu.memory_space<vmem>>, vector<1x16xf32>,
      %swap3A_98 = vector.shape_cast %swap3A_97 : vector<1x16xf32> to vector<16xf32>
      %swap3A_99 = vector.shape_cast %scan3A_94#0 : vector<16xf32> to vector<1x16xf32>
      tpu.vector_store %arg7[%swap3A, %swap3A_96], %swap3A_99 {strides = array<i32>} : memref<128x64xf32, #tpu.memory_space<vmem>>, vector<1x16xf32>,
      %swap3A_100 = arith.index_cast %add3A_59 : i32 to index
      %swap3A_101 = arith.constant 16 : index
      %swap3A_102 = tpu.vector_load %arg7[%swap3A_100, %swap3A_101] {strides = array<i32>} : memref<128x64xf32, #tpu.memory_space<vmem>>, vector<1x16xf32>,
      %swap3A_103 = vector.shape_cast %swap3A_102 : vector<1x16xf32> to vector<16xf32>
      %swap3A_104 = vector.shape_cast %scan3A_94#1 : vector<16xf32> to vector<1x16xf32>
      tpu.vector_store %arg7[%swap3A_100, %swap3A_101], %swap3A_104 {strides = array<i32>} : memref<128x64xf32, #tpu.memory_space<vmem>>, vector<1x16xf32>,
      %swap3A_105 = arith.index_cast %add3A_59 : i32 to index
      %swap3A_106 = arith.constant 32 : index
      %swap3A_107 = tpu.vector_load %arg7[%swap3A_105, %swap3A_106] {strides = array<i32>} : memref<128x64xf32, #tpu.memory_space<vmem>>, vector<1x16xf32>,
      %swap3A_108 = vector.shape_cast %swap3A_107 : vector<1x16xf32> to vector<16xf32>
      %swap3A_109 = vector.shape_cast %scan3A_94#2 : vector<16xf32> to vector<1x16xf32>
      tpu.vector_store %arg7[%swap3A_105, %swap3A_106], %swap3A_109 {strides = array<i32>} : memref<128x64xf32, #tpu.memory_space<vmem>>, vector<1x16xf32>,
      %swap3A_110 = arith.index_cast %add3A_59 : i32 to index
      %swap3A_111 = arith.constant 48 : index
      %swap3A_112 = tpu.vector_load %arg7[%swap3A_110, %swap3A_111] {strides = array<i32>} : memref<128x64xf32, #tpu.memory_space<vmem>>, vector<1x16xf32>,
      %swap3A_113 = vector.shape_cast %swap3A_112 : vector<1x16xf32> to vector<16xf32>
      %swap3A_114 = vector.shape_cast %scan3A_94#3 : vector<16xf32> to vector<1x16xf32>
      tpu.vector_store %arg7[%swap3A_110, %swap3A_111], %swap3A_114 {strides = array<i32>} : memref<128x64xf32, #tpu.memory_space<vmem>>, vector<1x16xf32>,
      %add3A_115 = arith.constant 2 : i32
      %add3A_116 = arith.addi %add3A_59, %add3A_115 : i32
      %lt3A = arith.constant 128 : i32
      %lt3A_117 = arith.cmpi slt, %add3A_116, %lt3A : i32
      %convert_element_type3A = arith.extui %lt3A_117 : i1 to i32
      %cond3A = arith.constant 0 : i32
      %cond3A_118 = arith.cmpi ne, %convert_element_type3A, %cond3A : i32
      scf.if %cond3A_118 {
        %add3A_188 = arith.constant 2 : i32
        %add3A_189 = arith.addi %add3A_59, %add3A_188 : i32
        %dma_start3A_190 = arith.constant 0 : i32
        %dma_start3A_191 = arith.constant 0 : i32
        %dma_start3A_192 = arith.constant 0 : i32
        %dma_start3A_193 = tpu.memref_slice %arg6[%dma_start3A_190, %dma_start3A_191, %dma_start3A_192] : memref<2x200x64xf32, #tpu.memory_space<vmem>> -> memref<1x128x64xf32, #tpu.memory_space<vmem>>
        %dma_start3A_194 = tpu.memref_squeeze %dma_start3A_193 : memref<1x128x64xf32, #tpu.memory_space<vmem>> -> memref<128x64xf32, #tpu.memory_space<vmem>>
        %dma_start3A_195 = arith.constant 0 : i32
        %dma_start3A_196 = tpu.memref_slice %arg5[%add3A_189, %dma_start3A_195] : memref<128x200xi32, #tpu.memory_space<vmem>> -> memref<1x128xi32, #tpu.memory_space<vmem>>
        %dma_start3A_197 = tpu.memref_squeeze %dma_start3A_196 : memref<1x128xi32, #tpu.memory_space<vmem>> -> memref<128xi32, #tpu.memory_space<vmem>>
        %dma_start3A_198 = arith.constant 0 : i32
        %dma_start3A_199 = arith.constant 0 : i32
        %dma_start3A_200 = tpu.memref_slice %arg3[%dma_start3A_198, %dma_start3A_199] : memref<1000000x64xf32, #tpu.memory_space<hbm>> -> memref<1000000x64xf32, #tpu.memory_space<hbm>>
        tpu.enqueue_indirect_dma source(%dma_start3A_200 : memref<1000000x64xf32, #tpu.memory_space<hbm>>) target(%dma_start3A_194 : memref<128x64xf32, #tpu.memory_space<vmem>>) offsets(%dma_start3A_197 : memref<128xi32, #tpu.memory_space<vmem>>) semaphore(%arg8 : memref<!tpu.dma_semaphore, #tpu.memory_space<semaphore_mem>>)
        %dma_start3A_201 = arith.constant 0 : i32
        %dma_start3A_202 = arith.constant 128 : i32
        %dma_start3A_203 = arith.constant 0 : i32
        %dma_start3A_204 = tpu.memref_slice %arg6[%dma_start3A_201, %dma_start3A_202, %dma_start3A_203] : memref<2x200x64xf32, #tpu.memory_space<vmem>> -> memref<1x72x64xf32, #tpu.memory_space<vmem>>
        %dma_start3A_205 = tpu.memref_squeeze %dma_start3A_204 : memref<1x72x64xf32, #tpu.memory_space<vmem>> -> memref<72x64xf32, #tpu.memory_space<vmem>>
        %dma_start3A_206 = arith.constant 128 : i32
        %dma_start3A_207 = tpu.memref_slice %arg5[%add3A_189, %dma_start3A_206] : memref<128x200xi32, #tpu.memory_space<vmem>> -> memref<1x72xi32, #tpu.memory_space<vmem>>
        %dma_start3A_208 = tpu.memref_squeeze %dma_start3A_207 : memref<1x72xi32, #tpu.memory_space<vmem>> -> memref<72xi32, #tpu.memory_space<vmem>>
        %dma_start3A_209 = arith.constant 0 : i32
        %dma_start3A_210 = arith.constant 0 : i32
        %dma_start3A_211 = tpu.memref_slice %arg3[%dma_start3A_209, %dma_start3A_210] : memref<1000000x64xf32, #tpu.memory_space<hbm>> -> memref<1000000x64xf32, #tpu.memory_space<hbm>>
        tpu.enqueue_indirect_dma source(%dma_start3A_211 : memref<1000000x64xf32, #tpu.memory_space<hbm>>) target(%dma_start3A_205 : memref<72x64xf32, #tpu.memory_space<vmem>>) offsets(%dma_start3A_208 : memref<72xi32, #tpu.memory_space<vmem>>) semaphore(%arg9 : memref<!tpu.dma_semaphore, #tpu.memory_space<semaphore_mem>>)
      } else {
      }
      %mul3A_119 = arith.constant 2 : i32
      %mul3A_120 = arith.muli %scan3A_55, %mul3A_119 : i32
      %add3A_121 = arith.constant 1 : i32
      %add3A_122 = arith.addi %mul3A_120, %add3A_121 : i32
      %dma_wait3A_123 = arith.constant 1 : i32
      %dma_wait3A_124 = arith.constant 0 : i32
      %dma_wait3A_125 = arith.constant 0 : i32
      %dma_wait3A_126 = tpu.memref_slice %arg6[%dma_wait3A_123, %dma_wait3A_124, %dma_wait3A_125] : memref<2x200x64xf32, #tpu.memory_space<vmem>> -> memref<1x128x64xf32, #tpu.memory_space<vmem>>
      %dma_wait3A_127 = tpu.memref_squeeze %dma_wait3A_126 : memref<1x128x64xf32, #tpu.memory_space<vmem>> -> memref<128x64xf32, #tpu.memory_space<vmem>>
      %dma_wait3A_128 = arith.constant 0 : i32
      %dma_wait3A_129 = arith.constant 0 : i32
      %dma_wait3A_130 = tpu.memref_slice %arg3[%dma_wait3A_128, %dma_wait3A_129] : memref<1000000x64xf32, #tpu.memory_space<hbm>> -> memref<128x64xf32, #tpu.memory_space<hbm>>
      %dma_wait3A_131 = arith.constant 0 : i32
      %dma_wait3A_132 = arith.constant 0 : i32
      %dma_wait3A_133 = tpu.memref_slice %arg6[%dma_wait3A_123, %dma_wait3A_131, %dma_wait3A_132] : memref<2x200x64xf32, #tpu.memory_space<vmem>> -> memref<1x128x64xf32, #tpu.memory_space<vmem>>
      %dma_wait3A_134 = tpu.memref_squeeze %dma_wait3A_133 : memref<1x128x64xf32, #tpu.memory_space<vmem>> -> memref<128x64xf32, #tpu.memory_space<vmem>>
      %dma_wait3A_135 = arith.constant 0 : i32
      %dma_wait3A_136 = arith.constant 0 : i32
      %dma_wait3A_137 = tpu.memref_slice %arg3[%dma_wait3A_135, %dma_wait3A_136] : memref<1000000x64xf32, #tpu.memory_space<hbm>> -> memref<128x64xf32, #tpu.memory_space<hbm>>
      tpu.wait_dma2 semaphore(%arg10 : memref<!tpu.dma_semaphore, #tpu.memory_space<semaphore_mem>>) src(%dma_wait3A_137 : memref<128x64xf32, #tpu.memory_space<hbm>>) dst(%dma_wait3A_134 : memref<128x64xf32, #tpu.memory_space<vmem>>)
      %dma_wait3A_138 = arith.constant 1 : i32
      %dma_wait3A_139 = arith.constant 128 : i32
      %dma_wait3A_140 = arith.constant 0 : i32
      %dma_wait3A_141 = tpu.memref_slice %arg6[%dma_wait3A_138, %dma_wait3A_139, %dma_wait3A_140] : memref<2x200x64xf32, #tpu.memory_space<vmem>> -> memref<1x72x64xf32, #tpu.memory_space<vmem>>
      %dma_wait3A_142 = tpu.memref_squeeze %dma_wait3A_141 : memref<1x72x64xf32, #tpu.memory_space<vmem>> -> memref<72x64xf32, #tpu.memory_space<vmem>>
      %dma_wait3A_143 = arith.constant 0 : i32
      %dma_wait3A_144 = arith.constant 0 : i32
      %dma_wait3A_145 = tpu.memref_slice %arg3[%dma_wait3A_143, %dma_wait3A_144] : memref<1000000x64xf32, #tpu.memory_space<hbm>> -> memref<72x64xf32, #tpu.memory_space<hbm>>
      %dma_wait3A_146 = arith.constant 128 : i32
      %dma_wait3A_147 = arith.constant 0 : i32
      %dma_wait3A_148 = tpu.memref_slice %arg6[%dma_wait3A_138, %dma_wait3A_146, %dma_wait3A_147] : memref<2x200x64xf32, #tpu.memory_space<vmem>> -> memref<1x72x64xf32, #tpu.memory_space<vmem>>
      %dma_wait3A_149 = tpu.memref_squeeze %dma_wait3A_148 : memref<1x72x64xf32, #tpu.memory_space<vmem>> -> memref<72x64xf32, #tpu.memory_space<vmem>>
      %dma_wait3A_150 = arith.constant 0 : i32
      %dma_wait3A_151 = arith.constant 0 : i32
      %dma_wait3A_152 = tpu.memref_slice %arg3[%dma_wait3A_150, %dma_wait3A_151] : memref<1000000x64xf32, #tpu.memory_space<hbm>> -> memref<72x64xf32, #tpu.memory_space<hbm>>
      tpu.wait_dma2 semaphore(%arg11 : memref<!tpu.dma_semaphore, #tpu.memory_space<semaphore_mem>>) src(%dma_wait3A_152 : memref<72x64xf32, #tpu.memory_space<hbm>>) dst(%dma_wait3A_149 : memref<72x64xf32, #tpu.memory_space<vmem>>)
      %broadcast_in_dim3A_153 = arith.constant 0.000000e+00 : f32
      %broadcast_in_dim3A_154 = vector.broadcast %broadcast_in_dim3A_153 : f32 to vector<16xf32>
      %scan3A_155 = arith.constant 0 : i32
      %scan3A_156 = arith.constant 25 : i32
      %scan3A_157 = arith.addi %scan3A_155, %scan3A_156 : i32
      %scan3A_158 = arith.constant 1 : i32
      %scan3A_159:4 = scf.for %scan3A_188 = %scan3A_155 to %scan3A_157 step %scan3A_158 iter_args(%scan3A_189 = %broadcast_in_dim3A_154, %scan3A_190 = %broadcast_in_dim3A_154, %scan3A_191 = %broadcast_in_dim3A_154, %scan3A_192 = %broadcast_in_dim3A_154) -> (vector<16xf32>, vector<16xf32>, vector<16xf32>, vector<16xf32>)  : i32 {
        %mul3A_193 = arith.constant 8 : i32
        %mul3A_194 = arith.muli %scan3A_188, %mul3A_193 : i32
        %add3A_195 = arith.constant 0 : i32
        %add3A_196 = arith.addi %mul3A_194, %add3A_195 : i32
        %get3A = arith.constant 1 : i32
        %get3A_197 = arith.index_cast %get3A : i32 to index
        %get3A_198 = arith.index_cast %add3A_196 : i32 to index
        %get3A_199 = arith.constant 0 : index
        %get3A_200 = tpu.vector_load %arg6[%get3A_197, %get3A_198, %get3A_199] {strides = array<i32>} : memref<2x200x64xf32, #tpu.memory_space<vmem>>, vector<1x1x16xf32>,
        %get3A_201 = vector.shape_cast %get3A_200 : vector<1x1x16xf32> to vector<16xf32>
        %add3A_202 = arith.addf %scan3A_189, %get3A_201 : vector<16xf32>
        %get3A_203 = arith.constant 1 : i32
        %get3A_204 = arith.index_cast %get3A_203 : i32 to index
        %get3A_205 = arith.index_cast %add3A_196 : i32 to index
        %get3A_206 = arith.constant 16 : index
        %get3A_207 = tpu.vector_load %arg6[%get3A_204, %get3A_205, %get3A_206] {strides = array<i32>} : memref<2x200x64xf32, #tpu.memory_space<vmem>>, vector<1x1x16xf32>,
        %get3A_208 = vector.shape_cast %get3A_207 : vector<1x1x16xf32> to vector<16xf32>
        %add3A_209 = arith.addf %scan3A_190, %get3A_208 : vector<16xf32>
        %get3A_210 = arith.constant 1 : i32
        %get3A_211 = arith.index_cast %get3A_210 : i32 to index
        %get3A_212 = arith.index_cast %add3A_196 : i32 to index
        %get3A_213 = arith.constant 32 : index
        %get3A_214 = tpu.vector_load %arg6[%get3A_211, %get3A_212, %get3A_213] {strides = array<i32>} : memref<2x200x64xf32, #tpu.memory_space<vmem>>, vector<1x1x16xf32>,
        %get3A_215 = vector.shape_cast %get3A_214 : vector<1x1x16xf32> to vector<16xf32>
        %add3A_216 = arith.addf %scan3A_191, %get3A_215 : vector<16xf32>
        %get3A_217 = arith.constant 1 : i32
        %get3A_218 = arith.index_cast %get3A_217 : i32 to index
        %get3A_219 = arith.index_cast %add3A_196 : i32 to index
        %get3A_220 = arith.constant 48 : index
        %get3A_221 = tpu.vector_load %arg6[%get3A_218, %get3A_219, %get3A_220] {strides = array<i32>} : memref<2x200x64xf32, #tpu.memory_space<vmem>>, vector<1x1x16xf32>,
        %get3A_222 = vector.shape_cast %get3A_221 : vector<1x1x16xf32> to vector<16xf32>
        %add3A_223 = arith.addf %scan3A_192, %get3A_222 : vector<16xf32>
        %mul3A_224 = arith.constant 8 : i32
        %mul3A_225 = arith.muli %scan3A_188, %mul3A_224 : i32
        %add3A_226 = arith.constant 1 : i32
        %add3A_227 = arith.addi %mul3A_225, %add3A_226 : i32
        %get3A_228 = arith.constant 1 : i32
        %get3A_229 = arith.index_cast %get3A_228 : i32 to index
        %get3A_230 = arith.index_cast %add3A_227 : i32 to index
        %get3A_231 = arith.constant 0 : index
        %get3A_232 = tpu.vector_load %arg6[%get3A_229, %get3A_230, %get3A_231] {strides = array<i32>} : memref<2x200x64xf32, #tpu.memory_space<vmem>>, vector<1x1x16xf32>,
        %get3A_233 = vector.shape_cast %get3A_232 : vector<1x1x16xf32> to vector<16xf32>
        %add3A_234 = arith.addf %add3A_202, %get3A_233 : vector<16xf32>
        %get3A_235 = arith.constant 1 : i32
        %get3A_236 = arith.index_cast %get3A_235 : i32 to index
        %get3A_237 = arith.index_cast %add3A_227 : i32 to index
        %get3A_238 = arith.constant 16 : index
        %get3A_239 = tpu.vector_load %arg6[%get3A_236, %get3A_237, %get3A_238] {strides = array<i32>} : memref<2x200x64xf32, #tpu.memory_space<vmem>>, vector<1x1x16xf32>,
        %get3A_240 = vector.shape_cast %get3A_239 : vector<1x1x16xf32> to vector<16xf32>
        %add3A_241 = arith.addf %add3A_209, %get3A_240 : vector<16xf32>
        %get3A_242 = arith.constant 1 : i32
        %get3A_243 = arith.index_cast %get3A_242 : i32 to index
        %get3A_244 = arith.index_cast %add3A_227 : i32 to index
        %get3A_245 = arith.constant 32 : index
        %get3A_246 = tpu.vector_load %arg6[%get3A_243, %get3A_244, %get3A_245] {strides = array<i32>} : memref<2x200x64xf32, #tpu.memory_space<vmem>>, vector<1x1x16xf32>,
        %get3A_247 = vector.shape_cast %get3A_246 : vector<1x1x16xf32> to vector<16xf32>
        %add3A_248 = arith.addf %add3A_216, %get3A_247 : vector<16xf32>
        %get3A_249 = arith.constant 1 : i32
        %get3A_250 = arith.index_cast %get3A_249 : i32 to index
        %get3A_251 = arith.index_cast %add3A_227 : i32 to index
        %get3A_252 = arith.constant 48 : index
        %get3A_253 = tpu.vector_load %arg6[%get3A_250, %get3A_251, %get3A_252] {strides = array<i32>} : memref<2x200x64xf32, #tpu.memory_space<vmem>>, vector<1x1x16xf32>,
        %get3A_254 = vector.shape_cast %get3A_253 : vector<1x1x16xf32> to vector<16xf32>
        %add3A_255 = arith.addf %add3A_223, %get3A_254 : vector<16xf32>
        %mul3A_256 = arith.constant 8 : i32
        %mul3A_257 = arith.muli %scan3A_188, %mul3A_256 : i32
        %add3A_258 = arith.constant 2 : i32
        %add3A_259 = arith.addi %mul3A_257, %add3A_258 : i32
        %get3A_260 = arith.constant 1 : i32
        %get3A_261 = arith.index_cast %get3A_260 : i32 to index
        %get3A_262 = arith.index_cast %add3A_259 : i32 to index
        %get3A_263 = arith.constant 0 : index
        %get3A_264 = tpu.vector_load %arg6[%get3A_261, %get3A_262, %get3A_263] {strides = array<i32>} : memref<2x200x64xf32, #tpu.memory_space<vmem>>, vector<1x1x16xf32>,
        %get3A_265 = vector.shape_cast %get3A_264 : vector<1x1x16xf32> to vector<16xf32>
        %add3A_266 = arith.addf %add3A_234, %get3A_265 : vector<16xf32>
        %get3A_267 = arith.constant 1 : i32
        %get3A_268 = arith.index_cast %get3A_267 : i32 to index
        %get3A_269 = arith.index_cast %add3A_259 : i32 to index
        %get3A_270 = arith.constant 16 : index
        %get3A_271 = tpu.vector_load %arg6[%get3A_268, %get3A_269, %get3A_270] {strides = array<i32>} : memref<2x200x64xf32, #tpu.memory_space<vmem>>, vector<1x1x16xf32>,
        %get3A_272 = vector.shape_cast %get3A_271 : vector<1x1x16xf32> to vector<16xf32>
        %add3A_273 = arith.addf %add3A_241, %get3A_272 : vector<16xf32>
        %get3A_274 = arith.constant 1 : i32
        %get3A_275 = arith.index_cast %get3A_274 : i32 to index
        %get3A_276 = arith.index_cast %add3A_259 : i32 to index
        %get3A_277 = arith.constant 32 : index
        %get3A_278 = tpu.vector_load %arg6[%get3A_275, %get3A_276, %get3A_277] {strides = array<i32>} : memref<2x200x64xf32, #tpu.memory_space<vmem>>, vector<1x1x16xf32>,
        %get3A_279 = vector.shape_cast %get3A_278 : vector<1x1x16xf32> to vector<16xf32>
        %add3A_280 = arith.addf %add3A_248, %get3A_279 : vector<16xf32>
        %get3A_281 = arith.constant 1 : i32
        %get3A_282 = arith.index_cast %get3A_281 : i32 to index
        %get3A_283 = arith.index_cast %add3A_259 : i32 to index
        %get3A_284 = arith.constant 48 : index
        %get3A_285 = tpu.vector_load %arg6[%get3A_282, %get3A_283, %get3A_284] {strides = array<i32>} : memref<2x200x64xf32, #tpu.memory_space<vmem>>, vector<1x1x16xf32>,
        %get3A_286 = vector.shape_cast %get3A_285 : vector<1x1x16xf32> to vector<16xf32>
        %add3A_287 = arith.addf %add3A_255, %get3A_286 : vector<16xf32>
        %mul3A_288 = arith.constant 8 : i32
        %mul3A_289 = arith.muli %scan3A_188, %mul3A_288 : i32
        %add3A_290 = arith.constant 3 : i32
        %add3A_291 = arith.addi %mul3A_289, %add3A_290 : i32
        %get3A_292 = arith.constant 1 : i32
        %get3A_293 = arith.index_cast %get3A_292 : i32 to index
        %get3A_294 = arith.index_cast %add3A_291 : i32 to index
        %get3A_295 = arith.constant 0 : index
        %get3A_296 = tpu.vector_load %arg6[%get3A_293, %get3A_294, %get3A_295] {strides = array<i32>} : memref<2x200x64xf32, #tpu.memory_space<vmem>>, vector<1x1x16xf32>,
        %get3A_297 = vector.shape_cast %get3A_296 : vector<1x1x16xf32> to vector<16xf32>
        %add3A_298 = arith.addf %add3A_266, %get3A_297 : vector<16xf32>
        %get3A_299 = arith.constant 1 : i32
        %get3A_300 = arith.index_cast %get3A_299 : i32 to index
        %get3A_301 = arith.index_cast %add3A_291 : i32 to index
        %get3A_302 = arith.constant 16 : index
        %get3A_303 = tpu.vector_load %arg6[%get3A_300, %get3A_301, %get3A_302] {strides = array<i32>} : memref<2x200x64xf32, #tpu.memory_space<vmem>>, vector<1x1x16xf32>,
        %get3A_304 = vector.shape_cast %get3A_303 : vector<1x1x16xf32> to vector<16xf32>
        %add3A_305 = arith.addf %add3A_273, %get3A_304 : vector<16xf32>
        %get3A_306 = arith.constant 1 : i32
        %get3A_307 = arith.index_cast %get3A_306 : i32 to index
        %get3A_308 = arith.index_cast %add3A_291 : i32 to index
        %get3A_309 = arith.constant 32 : index
        %get3A_310 = tpu.vector_load %arg6[%get3A_307, %get3A_308, %get3A_309] {strides = array<i32>} : memref<2x200x64xf32, #tpu.memory_space<vmem>>, vector<1x1x16xf32>,
        %get3A_311 = vector.shape_cast %get3A_310 : vector<1x1x16xf32> to vector<16xf32>
        %add3A_312 = arith.addf %add3A_280, %get3A_311 : vector<16xf32>
        %get3A_313 = arith.constant 1 : i32
        %get3A_314 = arith.index_cast %get3A_313 : i32 to index
        %get3A_315 = arith.index_cast %add3A_291 : i32 to index
        %get3A_316 = arith.constant 48 : index
        %get3A_317 = tpu.vector_load %arg6[%get3A_314, %get3A_315, %get3A_316] {strides = array<i32>} : memref<2x200x64xf32, #tpu.memory_space<vmem>>, vector<1x1x16xf32>,
        %get3A_318 = vector.shape_cast %get3A_317 : vector<1x1x16xf32> to vector<16xf32>
        %add3A_319 = arith.addf %add3A_287, %get3A_318 : vector<16xf32>
        %mul3A_320 = arith.constant 8 : i32
        %mul3A_321 = arith.muli %scan3A_188, %mul3A_320 : i32
        %add3A_322 = arith.constant 4 : i32
        %add3A_323 = arith.addi %mul3A_321, %add3A_322 : i32
        %get3A_324 = arith.constant 1 : i32
        %get3A_325 = arith.index_cast %get3A_324 : i32 to index
        %get3A_326 = arith.index_cast %add3A_323 : i32 to index
        %get3A_327 = arith.constant 0 : index
        %get3A_328 = tpu.vector_load %arg6[%get3A_325, %get3A_326, %get3A_327] {strides = array<i32>} : memref<2x200x64xf32, #tpu.memory_space<vmem>>, vector<1x1x16xf32>,
        %get3A_329 = vector.shape_cast %get3A_328 : vector<1x1x16xf32> to vector<16xf32>
        %add3A_330 = arith.addf %add3A_298, %get3A_329 : vector<16xf32>
        %get3A_331 = arith.constant 1 : i32
        %get3A_332 = arith.index_cast %get3A_331 : i32 to index
        %get3A_333 = arith.index_cast %add3A_323 : i32 to index
        %get3A_334 = arith.constant 16 : index
        %get3A_335 = tpu.vector_load %arg6[%get3A_332, %get3A_333, %get3A_334] {strides = array<i32>} : memref<2x200x64xf32, #tpu.memory_space<vmem>>, vector<1x1x16xf32>,
        %get3A_336 = vector.shape_cast %get3A_335 : vector<1x1x16xf32> to vector<16xf32>
        %add3A_337 = arith.addf %add3A_305, %get3A_336 : vector<16xf32>
        %get3A_338 = arith.constant 1 : i32
        %get3A_339 = arith.index_cast %get3A_338 : i32 to index
        %get3A_340 = arith.index_cast %add3A_323 : i32 to index
        %get3A_341 = arith.constant 32 : index
        %get3A_342 = tpu.vector_load %arg6[%get3A_339, %get3A_340, %get3A_341] {strides = array<i32>} : memref<2x200x64xf32, #tpu.memory_space<vmem>>, vector<1x1x16xf32>,
        %get3A_343 = vector.shape_cast %get3A_342 : vector<1x1x16xf32> to vector<16xf32>
        %add3A_344 = arith.addf %add3A_312, %get3A_343 : vector<16xf32>
        %get3A_345 = arith.constant 1 : i32
        %get3A_346 = arith.index_cast %get3A_345 : i32 to index
        %get3A_347 = arith.index_cast %add3A_323 : i32 to index
        %get3A_348 = arith.constant 48 : index
        %get3A_349 = tpu.vector_load %arg6[%get3A_346, %get3A_347, %get3A_348] {strides = array<i32>} : memref<2x200x64xf32, #tpu.memory_space<vmem>>, vector<1x1x16xf32>,
        %get3A_350 = vector.shape_cast %get3A_349 : vector<1x1x16xf32> to vector<16xf32>
        %add3A_351 = arith.addf %add3A_319, %get3A_350 : vector<16xf32>
        %mul3A_352 = arith.constant 8 : i32
        %mul3A_353 = arith.muli %scan3A_188, %mul3A_352 : i32
        %add3A_354 = arith.constant 5 : i32
        %add3A_355 = arith.addi %mul3A_353, %add3A_354 : i32
        %get3A_356 = arith.constant 1 : i32
        %get3A_357 = arith.index_cast %get3A_356 : i32 to index
        %get3A_358 = arith.index_cast %add3A_355 : i32 to index
        %get3A_359 = arith.constant 0 : index
        %get3A_360 = tpu.vector_load %arg6[%get3A_357, %get3A_358, %get3A_359] {strides = array<i32>} : memref<2x200x64xf32, #tpu.memory_space<vmem>>, vector<1x1x16xf32>,
        %get3A_361 = vector.shape_cast %get3A_360 : vector<1x1x16xf32> to vector<16xf32>
        %add3A_362 = arith.addf %add3A_330, %get3A_361 : vector<16xf32>
        %get3A_363 = arith.constant 1 : i32
        %get3A_364 = arith.index_cast %get3A_363 : i32 to index
        %get3A_365 = arith.index_cast %add3A_355 : i32 to index
        %get3A_366 = arith.constant 16 : index
        %get3A_367 = tpu.vector_load %arg6[%get3A_364, %get3A_365, %get3A_366] {strides = array<i32>} : memref<2x200x64xf32, #tpu.memory_space<vmem>>, vector<1x1x16xf32>,
        %get3A_368 = vector.shape_cast %get3A_367 : vector<1x1x16xf32> to vector<16xf32>
        %add3A_369 = arith.addf %add3A_337, %get3A_368 : vector<16xf32>
        %get3A_370 = arith.constant 1 : i32
        %get3A_371 = arith.index_cast %get3A_370 : i32 to index
        %get3A_372 = arith.index_cast %add3A_355 : i32 to index
        %get3A_373 = arith.constant 32 : index
        %get3A_374 = tpu.vector_load %arg6[%get3A_371, %get3A_372, %get3A_373] {strides = array<i32>} : memref<2x200x64xf32, #tpu.memory_space<vmem>>, vector<1x1x16xf32>,
        %get3A_375 = vector.shape_cast %get3A_374 : vector<1x1x16xf32> to vector<16xf32>
        %add3A_376 = arith.addf %add3A_344, %get3A_375 : vector<16xf32>
        %get3A_377 = arith.constant 1 : i32
        %get3A_378 = arith.index_cast %get3A_377 : i32 to index
        %get3A_379 = arith.index_cast %add3A_355 : i32 to index
        %get3A_380 = arith.constant 48 : index
        %get3A_381 = tpu.vector_load %arg6[%get3A_378, %get3A_379, %get3A_380] {strides = array<i32>} : memref<2x200x64xf32, #tpu.memory_space<vmem>>, vector<1x1x16xf32>,
        %get3A_382 = vector.shape_cast %get3A_381 : vector<1x1x16xf32> to vector<16xf32>
        %add3A_383 = arith.addf %add3A_351, %get3A_382 : vector<16xf32>
        %mul3A_384 = arith.constant 8 : i32
        %mul3A_385 = arith.muli %scan3A_188, %mul3A_384 : i32
        %add3A_386 = arith.constant 6 : i32
        %add3A_387 = arith.addi %mul3A_385, %add3A_386 : i32
        %get3A_388 = arith.constant 1 : i32
        %get3A_389 = arith.index_cast %get3A_388 : i32 to index
        %get3A_390 = arith.index_cast %add3A_387 : i32 to index
        %get3A_391 = arith.constant 0 : index
        %get3A_392 = tpu.vector_load %arg6[%get3A_389, %get3A_390, %get3A_391] {strides = array<i32>} : memref<2x200x64xf32, #tpu.memory_space<vmem>>, vector<1x1x16xf32>,
        %get3A_393 = vector.shape_cast %get3A_392 : vector<1x1x16xf32> to vector<16xf32>
        %add3A_394 = arith.addf %add3A_362, %get3A_393 : vector<16xf32>
        %get3A_395 = arith.constant 1 : i32
        %get3A_396 = arith.index_cast %get3A_395 : i32 to index
        %get3A_397 = arith.index_cast %add3A_387 : i32 to index
        %get3A_398 = arith.constant 16 : index
        %get3A_399 = tpu.vector_load %arg6[%get3A_396, %get3A_397, %get3A_398] {strides = array<i32>} : memref<2x200x64xf32, #tpu.memory_space<vmem>>, vector<1x1x16xf32>,
        %get3A_400 = vector.shape_cast %get3A_399 : vector<1x1x16xf32> to vector<16xf32>
        %add3A_401 = arith.addf %add3A_369, %get3A_400 : vector<16xf32>
        %get3A_402 = arith.constant 1 : i32
        %get3A_403 = arith.index_cast %get3A_402 : i32 to index
        %get3A_404 = arith.index_cast %add3A_387 : i32 to index
        %get3A_405 = arith.constant 32 : index
        %get3A_406 = tpu.vector_load %arg6[%get3A_403, %get3A_404, %get3A_405] {strides = array<i32>} : memref<2x200x64xf32, #tpu.memory_space<vmem>>, vector<1x1x16xf32>,
        %get3A_407 = vector.shape_cast %get3A_406 : vector<1x1x16xf32> to vector<16xf32>
        %add3A_408 = arith.addf %add3A_376, %get3A_407 : vector<16xf32>
        %get3A_409 = arith.constant 1 : i32
        %get3A_410 = arith.index_cast %get3A_409 : i32 to index
        %get3A_411 = arith.index_cast %add3A_387 : i32 to index
        %get3A_412 = arith.constant 48 : index
        %get3A_413 = tpu.vector_load %arg6[%get3A_410, %get3A_411, %get3A_412] {strides = array<i32>} : memref<2x200x64xf32, #tpu.memory_space<vmem>>, vector<1x1x16xf32>,
        %get3A_414 = vector.shape_cast %get3A_413 : vector<1x1x16xf32> to vector<16xf32>
        %add3A_415 = arith.addf %add3A_383, %get3A_414 : vector<16xf32>
        %mul3A_416 = arith.constant 8 : i32
        %mul3A_417 = arith.muli %scan3A_188, %mul3A_416 : i32
        %add3A_418 = arith.constant 7 : i32
        %add3A_419 = arith.addi %mul3A_417, %add3A_418 : i32
        %get3A_420 = arith.constant 1 : i32
        %get3A_421 = arith.index_cast %get3A_420 : i32 to index
        %get3A_422 = arith.index_cast %add3A_419 : i32 to index
        %get3A_423 = arith.constant 0 : index
        %get3A_424 = tpu.vector_load %arg6[%get3A_421, %get3A_422, %get3A_423] {strides = array<i32>} : memref<2x200x64xf32, #tpu.memory_space<vmem>>, vector<1x1x16xf32>,
        %get3A_425 = vector.shape_cast %get3A_424 : vector<1x1x16xf32> to vector<16xf32>
        %add3A_426 = arith.addf %add3A_394, %get3A_425 : vector<16xf32>
        %get3A_427 = arith.constant 1 : i32
        %get3A_428 = arith.index_cast %get3A_427 : i32 to index
        %get3A_429 = arith.index_cast %add3A_419 : i32 to index
        %get3A_430 = arith.constant 16 : index
        %get3A_431 = tpu.vector_load %arg6[%get3A_428, %get3A_429, %get3A_430] {strides = array<i32>} : memref<2x200x64xf32, #tpu.memory_space<vmem>>, vector<1x1x16xf32>,
        %get3A_432 = vector.shape_cast %get3A_431 : vector<1x1x16xf32> to vector<16xf32>
        %add3A_433 = arith.addf %add3A_401, %get3A_432 : vector<16xf32>
        %get3A_434 = arith.constant 1 : i32
        %get3A_435 = arith.index_cast %get3A_434 : i32 to index
        %get3A_436 = arith.index_cast %add3A_419 : i32 to index
        %get3A_437 = arith.constant 32 : index
        %get3A_438 = tpu.vector_load %arg6[%get3A_435, %get3A_436, %get3A_437] {strides = array<i32>} : memref<2x200x64xf32, #tpu.memory_space<vmem>>, vector<1x1x16xf32>,
        %get3A_439 = vector.shape_cast %get3A_438 : vector<1x1x16xf32> to vector<16xf32>
        %add3A_440 = arith.addf %add3A_408, %get3A_439 : vector<16xf32>
        %get3A_441 = arith.constant 1 : i32
        %get3A_442 = arith.index_cast %get3A_441 : i32 to index
        %get3A_443 = arith.index_cast %add3A_419 : i32 to index
        %get3A_444 = arith.constant 48 : index
        %get3A_445 = tpu.vector_load %arg6[%get3A_442, %get3A_443, %get3A_444] {strides = array<i32>} : memref<2x200x64xf32, #tpu.memory_space<vmem>>, vector<1x1x16xf32>,
        %get3A_446 = vector.shape_cast %get3A_445 : vector<1x1x16xf32> to vector<16xf32>
        %add3A_447 = arith.addf %add3A_415, %get3A_446 : vector<16xf32>
        scf.yield %add3A_426, %add3A_433, %add3A_440, %add3A_447 : vector<16xf32>, vector<16xf32>, vector<16xf32>, vector<16xf32>
      }
      %scan3A_160 = arith.constant 25 : i32
      %swap3A_161 = arith.index_cast %add3A_122 : i32 to index
      %swap3A_162 = arith.constant 0 : index
      %swap3A_163 = tpu.vector_load %arg7[%swap3A_161, %swap3A_162] {strides = array<i32>} : memref<128x64xf32, #tpu.memory_space<vmem>>, vector<1x16xf32>,
      %swap3A_164 = vector.shape_cast %swap3A_163 : vector<1x16xf32> to vector<16xf32>
      %swap3A_165 = vector.shape_cast %scan3A_159#0 : vector<16xf32> to vector<1x16xf32>
      tpu.vector_store %arg7[%swap3A_161, %swap3A_162], %swap3A_165 {strides = array<i32>} : memref<128x64xf32, #tpu.memory_space<vmem>>, vector<1x16xf32>,
      %swap3A_166 = arith.index_cast %add3A_122 : i32 to index
      %swap3A_167 = arith.constant 16 : index
      %swap3A_168 = tpu.vector_load %arg7[%swap3A_166, %swap3A_167] {strides = array<i32>} : memref<128x64xf32, #tpu.memory_space<vmem>>, vector<1x16xf32>,
      %swap3A_169 = vector.shape_cast %swap3A_168 : vector<1x16xf32> to vector<16xf32>
      %swap3A_170 = vector.shape_cast %scan3A_159#1 : vector<16xf32> to vector<1x16xf32>
      tpu.vector_store %arg7[%swap3A_166, %swap3A_167], %swap3A_170 {strides = array<i32>} : memref<128x64xf32, #tpu.memory_space<vmem>>, vector<1x16xf32>,
      %swap3A_171 = arith.index_cast %add3A_122 : i32 to index
      %swap3A_172 = arith.constant 32 : index
      %swap3A_173 = tpu.vector_load %arg7[%swap3A_171, %swap3A_172] {strides = array<i32>} : memref<128x64xf32, #tpu.memory_space<vmem>>, vector<1x16xf32>,
      %swap3A_174 = vector.shape_cast %swap3A_173 : vector<1x16xf32> to vector<16xf32>
      %swap3A_175 = vector.shape_cast %scan3A_159#2 : vector<16xf32> to vector<1x16xf32>
      tpu.vector_store %arg7[%swap3A_171, %swap3A_172], %swap3A_175 {strides = array<i32>} : memref<128x64xf32, #tpu.memory_space<vmem>>, vector<1x16xf32>,
      %swap3A_176 = arith.index_cast %add3A_122 : i32 to index
      %swap3A_177 = arith.constant 48 : index
      %swap3A_178 = tpu.vector_load %arg7[%swap3A_176, %swap3A_177] {strides = array<i32>} : memref<128x64xf32, #tpu.memory_space<vmem>>, vector<1x16xf32>,
      %swap3A_179 = vector.shape_cast %swap3A_178 : vector<1x16xf32> to vector<16xf32>
      %swap3A_180 = vector.shape_cast %scan3A_159#3 : vector<16xf32> to vector<1x16xf32>
      tpu.vector_store %arg7[%swap3A_176, %swap3A_177], %swap3A_180 {strides = array<i32>} : memref<128x64xf32, #tpu.memory_space<vmem>>, vector<1x16xf32>,
      %add3A_181 = arith.constant 2 : i32
      %add3A_182 = arith.addi %add3A_122, %add3A_181 : i32
      %lt3A_183 = arith.constant 128 : i32
      %lt3A_184 = arith.cmpi slt, %add3A_182, %lt3A_183 : i32
      %convert_element_type3A_185 = arith.extui %lt3A_184 : i1 to i32
      %cond3A_186 = arith.constant 0 : i32
      %cond3A_187 = arith.cmpi ne, %convert_element_type3A_185, %cond3A_186 : i32
      scf.if %cond3A_187 {
        %add3A_188 = arith.constant 2 : i32
        %add3A_189 = arith.addi %add3A_122, %add3A_188 : i32
        %dma_start3A_190 = arith.constant 1 : i32
        %dma_start3A_191 = arith.constant 0 : i32
        %dma_start3A_192 = arith.constant 0 : i32
        %dma_start3A_193 = tpu.memref_slice %arg6[%dma_start3A_190, %dma_start3A_191, %dma_start3A_192] : memref<2x200x64xf32, #tpu.memory_space<vmem>> -> memref<1x128x64xf32, #tpu.memory_space<vmem>>
        %dma_start3A_194 = tpu.memref_squeeze %dma_start3A_193 : memref<1x128x64xf32, #tpu.memory_space<vmem>> -> memref<128x64xf32, #tpu.memory_space<vmem>>
        %dma_start3A_195 = arith.constant 0 : i32
        %dma_start3A_196 = tpu.memref_slice %arg5[%add3A_189, %dma_start3A_195] : memref<128x200xi32, #tpu.memory_space<vmem>> -> memref<1x128xi32, #tpu.memory_space<vmem>>
        %dma_start3A_197 = tpu.memref_squeeze %dma_start3A_196 : memref<1x128xi32, #tpu.memory_space<vmem>> -> memref<128xi32, #tpu.memory_space<vmem>>
        %dma_start3A_198 = arith.constant 0 : i32
        %dma_start3A_199 = arith.constant 0 : i32
        %dma_start3A_200 = tpu.memref_slice %arg3[%dma_start3A_198, %dma_start3A_199] : memref<1000000x64xf32, #tpu.memory_space<hbm>> -> memref<1000000x64xf32, #tpu.memory_space<hbm>>
        tpu.enqueue_indirect_dma source(%dma_start3A_200 : memref<1000000x64xf32, #tpu.memory_space<hbm>>) target(%dma_start3A_194 : memref<128x64xf32, #tpu.memory_space<vmem>>) offsets(%dma_start3A_197 : memref<128xi32, #tpu.memory_space<vmem>>) semaphore(%arg10 : memref<!tpu.dma_semaphore, #tpu.memory_space<semaphore_mem>>)
        %dma_start3A_201 = arith.constant 1 : i32
        %dma_start3A_202 = arith.constant 128 : i32
        %dma_start3A_203 = arith.constant 0 : i32
        %dma_start3A_204 = tpu.memref_slice %arg6[%dma_start3A_201, %dma_start3A_202, %dma_start3A_203] : memref<2x200x64xf32, #tpu.memory_space<vmem>> -> memref<1x72x64xf32, #tpu.memory_space<vmem>>
        %dma_start3A_205 = tpu.memref_squeeze %dma_start3A_204 : memref<1x72x64xf32, #tpu.memory_space<vmem>> -> memref<72x64xf32, #tpu.memory_space<vmem>>
        %dma_start3A_206 = arith.constant 128 : i32
        %dma_start3A_207 = tpu.memref_slice %arg5[%add3A_189, %dma_start3A_206] : memref<128x200xi32, #tpu.memory_space<vmem>> -> memref<1x72xi32, #tpu.memory_space<vmem>>
        %dma_start3A_208 = tpu.memref_squeeze %dma_start3A_207 : memref<1x72xi32, #tpu.memory_space<vmem>> -> memref<72xi32, #tpu.memory_space<vmem>>
        %dma_start3A_209 = arith.constant 0 : i32
        %dma_start3A_210 = arith.constant 0 : i32
        %dma_start3A_211 = tpu.memref_slice %arg3[%dma_start3A_209, %dma_start3A_210] : memref<1000000x64xf32, #tpu.memory_space<hbm>> -> memref<1000000x64xf32, #tpu.memory_space<hbm>>
        tpu.enqueue_indirect_dma source(%dma_start3A_211 : memref<1000000x64xf32, #tpu.memory_space<hbm>>) target(%dma_start3A_205 : memref<72x64xf32, #tpu.memory_space<vmem>>) offsets(%dma_start3A_208 : memref<72xi32, #tpu.memory_space<vmem>>) semaphore(%arg11 : memref<!tpu.dma_semaphore, #tpu.memory_space<semaphore_mem>>)
      } else {
      }
    }
    %scan3A_54 = arith.constant 64 : i32
    "tpu.region"() ({
      %run_scoped3A = tpu.sem_alloc : memref<!tpu.dma_semaphore, #tpu.memory_space<semaphore_mem>>
      %dma_start3A_55 = arith.constant 0 : i32
      %dma_start3A_56 = tpu.memref_slice %arg4[%mul3A_2, %dma_start3A_55] : memref<4096x64xf32, #tpu.memory_space<hbm>> -> memref<128x64xf32, #tpu.memory_space<hbm>>
      %dma_start3A_57 = arith.constant 0 : i32
      %dma_start3A_58 = tpu.memref_slice %arg4[%mul3A_2, %dma_start3A_57] : memref<4096x64xf32, #tpu.memory_space<hbm>> -> memref<128x64xf32, #tpu.memory_space<hbm>>
      tpu.enqueue_dma source(%arg7 : memref<128x64xf32, #tpu.memory_space<vmem>>) target(%dma_start3A_58 : memref<128x64xf32, #tpu.memory_space<hbm>>) target_semaphore(%run_scoped3A : memref<!tpu.dma_semaphore, #tpu.memory_space<semaphore_mem>>)
      %dma_wait3A = arith.constant 0 : i32
      %dma_wait3A_59 = tpu.memref_slice %arg4[%mul3A_2, %dma_wait3A] : memref<4096x64xf32, #tpu.memory_space<hbm>> -> memref<128x64xf32, #tpu.memory_space<hbm>>
      %dma_wait3A_60 = arith.constant 0 : i32
      %dma_wait3A_61 = tpu.memref_slice %arg4[%mul3A_2, %dma_wait3A_60] : memref<4096x64xf32, #tpu.memory_space<hbm>> -> memref<128x64xf32, #tpu.memory_space<hbm>>
      tpu.wait_dma2 semaphore(%run_scoped3A : memref<!tpu.dma_semaphore, #tpu.memory_space<semaphore_mem>>) src(%arg7 : memref<128x64xf32, #tpu.memory_space<vmem>>) dst(%dma_wait3A_61 : memref<128x64xf32, #tpu.memory_space<hbm>>)
      tpu.yield
    }) : () -> ()
    return
  }
}

module attributes {stable_mosaic.version = 14 : i64} {
  func.func @_fc_body(%arg0: i32, %arg1: memref<256x64xf32, #tpu.memory_space<vmem>>, %arg2: memref<256x1xf32, #tpu.memory_space<vmem>>, %arg3: memref<64x128xf32, #tpu.memory_space<vmem>>, %arg4: memref<1x128xf32, #tpu.memory_space<vmem>>, %arg5: memref<256x128xf32, #tpu.memory_space<vmem>>) attributes {dimension_semantics = [#tpu.dimension_semantics<arbitrary>], iteration_bounds = array<i64: 16>, scalar_prefetch = 0 : i64, scratch_operands = 0 : i64, tpu.core_type = #tpu.core_type<tc>, window_params = [{transform_indices = @transform_0, window_bounds = array<i64: 256, 64>}, {transform_indices = @transform_1, window_bounds = array<i64: 256, 1>}, {pipeline_mode = #tpu.pipeline_mode<synchronous>, transform_indices = @transform_2, window_bounds = array<i64: 64, 128>}, {pipeline_mode = #tpu.pipeline_mode<synchronous>, transform_indices = @transform_3, window_bounds = array<i64: 1, 128>}, {transform_indices = @transform_4, window_bounds = array<i64: 256, 128>}]} {
    %get3A = arith.constant 0 : index
    %get3A_0 = arith.constant 0 : index
    %get3A_1 = vector.load %arg1[%get3A, %get3A_0] : memref<256x64xf32, #tpu.memory_space<vmem>>, vector<256x64xf32>
    %get3A_2 = arith.constant 0 : index
    %get3A_3 = arith.constant 0 : index
    %get3A_4 = vector.load %arg3[%get3A_2, %get3A_3] : memref<64x128xf32, #tpu.memory_space<vmem>>, vector<64x128xf32>
    %dot_general3A = arith.constant dense<0.000000e+00> : vector<256x128xf32>
    %dot_general3A_5 = tpu.matmul %get3A_1, %get3A_4, %dot_general3A {dimension_numbers = #tpu.dot_dimension_numbers<[1], [0], [0], [1], [0, 0, 1, 1], [], []>, transpose_lhs_hint = false} : vector<256x64xf32>, vector<64x128xf32>, vector<256x128xf32> -> vector<256x128xf32>
    %get3A_6 = arith.constant 0 : index
    %get3A_7 = arith.constant 0 : index
    %get3A_8 = vector.load %arg2[%get3A_6, %get3A_7] : memref<256x1xf32, #tpu.memory_space<vmem>>, vector<256x1xf32>
    %div3A = vector.broadcast %get3A_8 : vector<256x1xf32> to vector<256x128xf32>
    %div3A_9 = arith.divf %dot_general3A_5, %div3A : vector<256x128xf32>
    %get3A_10 = arith.constant 0 : index
    %get3A_11 = arith.constant 0 : index
    %get3A_12 = vector.load %arg4[%get3A_10, %get3A_11] : memref<1x128xf32, #tpu.memory_space<vmem>>, vector<1x128xf32>
    %add3A = vector.broadcast %get3A_12 : vector<1x128xf32> to vector<256x128xf32>
    %add3A_13 = arith.addf %div3A_9, %add3A : vector<256x128xf32>
    %swap3A = arith.constant 0 : index
    %swap3A_14 = arith.constant 0 : index
    %swap3A_15 = vector.load %arg5[%swap3A, %swap3A_14] : memref<256x128xf32, #tpu.memory_space<vmem>>, vector<256x128xf32>
    tpu.vector_store %arg5[%swap3A, %swap3A_14], %add3A_13 {strides = array<i32>} : memref<256x128xf32, #tpu.memory_space<vmem>>, vector<256x128xf32>,
    return
  }
  func.func @transform_0(%arg0: i32) -> (i32, i32) {
    %c0_i32 = arith.constant 0 : i32
    %c0_i32_0 = arith.constant 0 : i32
    return %arg0, %c0_i32 : i32, i32
  }
  func.func @transform_1(%arg0: i32) -> (i32, i32) {
    %c0_i32 = arith.constant 0 : i32
    %c0_i32_0 = arith.constant 0 : i32
    return %arg0, %c0_i32 : i32, i32
  }
  func.func @transform_2(%arg0: i32) -> (i32, i32) {
    %c0_i32 = arith.constant 0 : i32
    %c0_i32_0 = arith.constant 0 : i32
    %c0_i32_1 = arith.constant 0 : i32
    return %c0_i32, %c0_i32_0 : i32, i32
  }
  func.func @transform_3(%arg0: i32) -> (i32, i32) {
    %c0_i32 = arith.constant 0 : i32
    %c0_i32_0 = arith.constant 0 : i32
    %c0_i32_1 = arith.constant 0 : i32
    return %c0_i32, %c0_i32_0 : i32, i32
  }
  func.func @transform_4(%arg0: i32) -> (i32, i32) {
    %c0_i32 = arith.constant 0 : i32
    %c0_i32_0 = arith.constant 0 : i32
    return %arg0, %c0_i32 : i32, i32
  }
}

</mosaic_0001>

<sc_bundles>
// kernel: kernel.4.cloned.1.call-start
scs
__scs_entry_jumppad:
0x0: {  	(pc) =	sbr.rel $0x88, $3  }
0x1: {  	(tag) =	ssettag $0x0;
	lr =	simm.s32 $0x1  }
0x2: {  	[smem:$0x3F9C] =	sst lr;
	_ =	strace $0xD0000000  }
0x3: {  	_ = 	snop  }
0x4: {  	_ = 	snop  }
0x5: {  	_ = 	snop  }
0x6: {  	_ = 	snop  }
0x7: {  	_ = 	snop  }
__scs_overlays_trampoline_lowered:
0x8: {  	[smem:$0x3FAB] =	sst s0  }
0x9: {  	[smem:$0x3FAC] =	sst s1  }
0xa: {  	[smem:$0x3FAD] =	sst s2  }
0xb: {  	[smem:$0x3FAE] =	sst s3  }
0xc: {  	[smem:$0x3FAF] =	sst s4  }
0xd: {  	[smem:$0x3FB0] =	sst s5  }
0xe: {  	[smem:$0x3FB1] =	sst s6  }
0xf: {  	[smem:$0x3FB2] =	sst s7  }
0x10: {  	[smem:$0x3FB3] =	sst s8  }
0x11: {  	[smem:$0x3FB4] =	sst s9;
	s0 =	simm.s32 @!p0 $0x0  }
0x12: {  	s1 =	sld [smem:$0x3F9A];
	s0 =	simm.s32 @p0 $0x1  }
0x13: {  	[smem:$0x3FB5] =	sst s0;
	s0 =	simm.s32 @!p1 $0x0  }
0x14: {  	s2 =	sld [smem:$0x3F99];
	s0 =	simm.s32 @p1 $0x1  }
0x15: {  	[smem:$0x3FB6] =	sst s0;
	s0 =	simm.s32 @!p2 $0x0  }
0x16: {  	s3 =	sld [smem:$0x3FDB];
	s0 =	simm.s32 @p2 $0x1  }
0x17: {  	s4 =	simm.s32 $0x1BF5;
	[smem:$0x3FB8] =	sst s0  }
0x18: {  	s0 =	sld [smem:$0x3F9B];
	_ =	swait.ge [sflag:s4], $0x0  }
0x19: {  	s7 =	sld [smem:$0x3F9C]  }
0x1a: {  	s8 =	sadd.s32 $0xFFFFE003, lr  }
0x1b: {  	s9 =	sadd.s32 $0xFFFFFEF7, lr;
	s5 =	simm.s32 $0xFFFFFFFF;
	p2 =	slt.u32 s8, $0xFFFFF086  }
0x1c: {  	p1 =	slt.u32 s9, $0xF7A;
	s5 =	simm.s32 @!p2 $0x0  }
0x1d: {  	s5 =	simm.s32 @p1 $0x1;
	p0 =	seq.s32 s7, s2  }
0x1e: {  	s7 =	smul.u32 @!p0 $0xF7A, s2;
	p2 =	seq.s32 @!p0 s5, $0x0  }
0x1f: {  	s9 =	smul.u32 $0xF7A, s1;
	s8 =	simm.s32 @!p0 $0x1BF5;
	p2 =	por !p2, p0  }
0x20: {  	[sflag:s8] =	ssyncset.s32 @!p0 $0xFFFFF086;
	s6 =	sadd.s32 @!p0 s3, s7;
	s7 =	simm.s32 @!p0 $0x108  }
0x21: {  	s3 =	sadd.s32 s3, s9;
	s6 =	sadd.s32 @!p0 $0x88, s6;
	s7 =	simm.s32 @p2 $0x1082  }
0x22: {  	[simem:s7], [sflag:s8] =	dma.local @!p0 [hbm:s6], $0xF7A  }
0x23: {  	s9 =	sor.u32 $0xD0000000, s2;
	s6 =	simm.s32 $0x108;
	_ =	swait.ge @!p0 [sflag:s8], $0x0  }
0x24: {  	s3 =	sadd.s32 $0x88, s3;
	s6 =	simm.s32 @!p1 $0x1082;
	[sflag:s4] =	ssyncset.s32 $0xFFFFF086  }
0x25: {  	[simem:s6], [sflag:s4] =	dma.local [hbm:s3], $0xF7A  }
0x26: {  	[smem:$0x3F9C] =	sst s1;
	(tag) =	ssettag s2;
	_ =	strace s9  }
0x27: {  	s1 =	sld [smem:$0x3FAC]  }
0x28: {  	s2 =	sld [smem:$0x3FAD]  }
0x29: {  	s4 =	sld [smem:$0x3FAF]  }
0x2a: {  	p0 =	seq.s32 s5, $0x0;
	s5 =	sld [smem:$0x3FB0]  }
0x2b: {  	s6 =	sld [smem:$0x3FB1]  }
0x2c: {  	s7 =	sld [smem:$0x3FB2]  }
0x2d: {  	s3 =	simm.s32 $0x108;
	s8 =	sld [smem:$0x3FB3]  }
0x2e: {  	s3 =	simm.s32 @!p0 $0x1082;
	s9 =	sld [smem:$0x3FB4]  }
0x2f: {  	lr =	sadd.s32 s0, s3;
	s0 =	sld [smem:$0x3FAB]  }
0x30: {  	s3 =	sld [smem:$0x3FAE]  }
0x31: {  	[smem:$0x3FB7] =	sst s10  }
0x32: {  	s10 =	sld [smem:$0x3FB5];
	_ =	sdelay $0x3  }
0x33: {  	p0 =	seq.s32 s10, $0x1;
	s10 =	sld [smem:$0x3FB7];
	_ =	sdelay $0x3  }
0x34: {  	[smem:$0x3FB7] =	sst s10  }
0x35: {  	s10 =	sld [smem:$0x3FB6];
	_ =	sdelay $0x3  }
0x36: {  	p1 =	seq.s32 s10, $0x1;
	s10 =	sld [smem:$0x3FB7];
	_ =	sdelay $0x3  }
0x37: {  	[smem:$0x3FB7] =	sst s10  }
0x38: {  	s10 =	sld [smem:$0x3FB8]  }
0x39: {  	_ = 	snop;
	(pc) =	sbr.ind lr, $3  }
0x3a: {  	_ = 	snop  }
0x3b: {  	_ = 	snop  }
0x3c: {  	p2 =	seq.s32 s10, $0x1;
	s10 =	sld [smem:$0x3FB7]  }
0x3d: {  	_ =	shalt  }
0x3e: {  	_ =	shalt  }
0x3f: {  	_ =	shalt  }
0x40: {  	_ =	shalt  }
0x41: {  	_ =	shalt  }
0x42: {  	_ =	shalt  }
0x43: {  	_ =	shalt  }
0x44: {  	_ =	shalt  }
0x45: {  	_ =	shalt  }
0x46: {  	_ =	shalt  }
0x47: {  	_ =	shalt  }
0x48: {  	_ =	shalt  }
0x49: {  	_ =	shalt  }
0x4a: {  	_ =	shalt  }
0x4b: {  	_ =	shalt  }
0x4c: {  	_ =	shalt  }
0x4d: {  	_ =	shalt  }
0x4e: {  	_ =	shalt  }
0x4f: {  	_ =	shalt  }
0x50: {  	_ =	shalt  }
0x51: {  	_ =	shalt  }
0x52: {  	_ =	shalt  }
0x53: {  	_ =	shalt  }
0x54: {  	_ =	shalt  }
0x55: {  	_ =	shalt  }
0x56: {  	_ =	shalt  }
0x57: {  	_ =	shalt  }
0x58: {  	_ =	shalt  }
0x59: {  	_ =	shalt  }
0x5a: {  	_ =	shalt  }
0x5b: {  	_ =	shalt  }
0x5c: {  	_ =	shalt  }
0x5d: {  	_ =	shalt  }
0x5e: {  	_ =	shalt  }
0x5f: {  	_ =	shalt  }
0x60: {  	_ =	shalt  }
0x61: {  	_ =	shalt  }
0x62: {  	_ =	shalt  }
0x63: {  	_ =	shalt  }
0x64: {  	_ =	shalt  }
0x65: {  	_ =	shalt  }
0x66: {  	_ =	shalt  }
0x67: {  	_ =	shalt  }
0x68: {  	_ =	shalt  }
0x69: {  	_ =	shalt  }
0x6a: {  	_ =	shalt  }
0x6b: {  	_ =	shalt  }
0x6c: {  	_ =	shalt  }
0x6d: {  	_ =	shalt  }
0x6e: {  	_ =	shalt  }
0x6f: {  	_ =	shalt  }
0x70: {  	_ =	shalt  }
0x71: {  	_ =	shalt  }
0x72: {  	_ =	shalt  }
0x73: {  	_ =	shalt  }
0x74: {  	_ =	shalt  }
0x75: {  	_ =	shalt  }
0x76: {  	_ =	shalt  }
0x77: {  	_ =	shalt  }
0x78: {  	_ =	shalt  }
0x79: {  	_ =	shalt  }
0x7a: {  	_ =	shalt  }
0x7b: {  	_ =	shalt  }
0x7c: {  	_ =	shalt  }
0x7d: {  	_ =	shalt  }
0x7e: {  	_ =	shalt  }
0x7f: {  	_ =	shalt  }
0x80: {  	_ =	shalt  }
0x81: {  	_ =	shalt  }
0x82: {  	_ =	shalt  }
0x83: {  	_ =	shalt  }
0x84: {  	_ =	shalt  }
0x85: {  	_ =	shalt  }
0x86: {  	_ =	shalt  }
0x87: {  	_ =	shalt  }
.Lfunc_end0:
.L_simem_size_0:
called_computation_lowered:
.L_overlay_start_0:
0x88: {  	s2 =	sld [smem:$0x3FD9]  }
0x89: {  	s3 =	sld [smem:$0x3FFE];
	_ =	sdelay $0x1  }
0x8a: {  	s1 =	srdreg.scid  }
0x8b: {  	s0 =	sand.u32 $0x1, s1  }
0x8c: {  	s17 =	sshll.u32 s0, $0xA;
	s2 =	sadd.s32 s3, s2  }
0x8d: {  	s2 =	sadd.s32 s2, s17  }
0x8e: {  	[smem:$0x3FC3] =	sst s2  }
0x8f: {  	_ = 	snop  }
0x90: {  	s2 =	sld [smem:$0x3FD0];
	(tm) =	ssettm $0x1  }
0x91: {  	s18 =	sld [smem:$0x3FFB];
	_ =	sdelay $0x3  }
0x92: {  	_ =	strace s18  }
0x93: {  	s3 =	sld [smem:$0x3FFC];
	_ =	sdelay $0x3  }
0x94: {  	_ =	strace s3  }
0x95: {  	s3 =	sld [smem:$0x3FFD];
	_ =	sdelay $0x3  }
0x96: {  	_ =	strace s3  }
0x97: {  	_ =	strace $0x8FFFFFFF  }
0x98: {  	s19 =	sld [smem:$0x3FDB];
	_ =	sdelay $0x1  }
0x99: {  	s4 =	simm.s32 $_scs_section_size  }
0x9a: {  	s5 =	simm.s32 $_size__tile_overlayer_lowered;
	s6 =	simm.s32 $_tile_overlayer_lowered  }
0x9b: {  	s22 =	simm.s32 $0x1BFF;
	s21 =	sshll.u32 s6, $0x1;
	s3 =	sadd.s32 s4, s19  }
0x9c: {  	s7 =	simm.s32 $0x0;
	s20 =	sshll.u32 s5, $0x1;
	s5 =	sadd.s32 s21, s3  }
0x9d: {  	[timem:s7], [sflag:s22] =	dma.local [hbm:s5], s20  }
0x9e: {  	_ =	swait.ge [sflag:s22], s20  }
0x9f: {  	s4 =	ssub.s32 $0x0, s20;
	[sflag:s22] =	ssyncset.done $0x0  }
0xa0: {  	[sflag:s22] =	ssyncadd.s32 s4;
	_ =	sdelay $0x1  }
0xa1: {  	s23 =	simm.s32 $0x1B8B  }
0xa2: {  	_ =	swait.ge [sflag:s23], $0x1  }
0xa3: {  	[sflag:s23] =	ssyncset.done $0x0  }
0xa4: {  	s25 =	simm.s32 $0x1B8E;
	s24 =	sld [smem:$0x3FFE];
	[sflag:s23] =	ssyncadd.s32 $0xFFFFFFFF  }
0xa5: {  	s26 =	simm.s32 $execute0_lowered;
	[smem:$0x3FD2] =	sst s25  }
0xa6: {  	s5 =	sshll.u32 s26, $0x1;
	_ =	strace $0x80000046;
	[dreg:$0x1] =	wrdreg $0xFFFFFFFF  }
0xa7: {  	s28 =	simm.s32 $_size_execute0_lowered;
	s3 =	sadd.s32 s3, s5;
	[dreg:$0x0] =	wrdreg $0x0  }
0xa8: {  	s5 =	sshll.u32 s28, $0x1;
	[dreg:$0x2] =	wrdreg s3  }
0xa9: {  	[dreg:$0x3] =	wrdreg s5  }
0xaa: {  	[dreg:$0x4] =	wrdreg $0xC0  }
0xab: {  	_ =	task [dreg:s7], $0x5FFFF  }
0xac: {  	[dreg:$0x1] =	wrdreg $0xFFFFFFFF  }
0xad: {  	[dreg:$0x0] =	wrdreg $0x60  }
0xae: {  	[dreg:$0x2] =	wrdreg s24  }
0xaf: {  	[dreg:$0x3] =	wrdreg s2  }
0xb0: {  	[dreg:$0x4] =	wrdreg $0x9  }
0xb1: {  	_ =	task.clear_ibuf [dreg:s7], $0x5FFFF;
	_ =	strace $0x90000046  }
0xb2: {  	s29 =	simm.s32 $0x9;
	_ =	strace $0x80000048  }
0xb3: {  	_ =	swait.ge [sflag:s29], $0x1  }
0xb4: {  	[sflag:s29] =	ssyncadd.s32 $0xFFFFFFFF  }
0xb5: {  	_ =	strace $0x90000048  }
0xb6: {  	_ =	sfence  }
0xb7: {  	s30 =	sld [smem:$0x0];
	_ =	sdelay $0x2  }
0xb8: {  	s31 =	sshll.u32 s1, $0xD;
	s1 =	sshrl.u32 s1, $0x2  }
0xb9: {  	s3 =	sand.u32 $0x4000, s31;
	s1 =	sadd.s32 s1, s30  }
0xba: {  	s0 =	sor.u32 s3, s0;
	s1 =	sshll.u32 s1, $0x11  }
0xbb: {  	s0 =	sor.u32 s1, s0  }
0xbc: {  	s0 =	sadd.s32 $0x8F2B, s0  }
0xbd: {  	[sflag:s0] =	ssyncadd.remote.s32 $0x1  }
0xbe: {  	_ =	sfence.sel $0xFFFF  }
0xbf: {  	[dreg:$0x0] =	wrdreg $0xFFFFFFFF;
	(pc) =	sbr.abs _section_cstart, $3  }
0xc0: {  	[dreg:$0x1] =	wrdreg $0xFFFFFFFF  }
0xc1: {  	_ =	task.clear_ibuf [dreg:s7], $0x2FFFF;
	_ =	strace $0x9FFFFFFF  }
0xc2: {  	(tm) =	ssettm $0x7FFFFFFF  }
0xc3: {  	_ =	shalt  }
tec
execute0_lowered:
.L_overlay_start_1:
0x0: {  	(tag) =	ssettag $0x1  }
0x1: {  	s1 =	srdreg.scid;
	s4 =	rddreg [dreg:$0x0]  }
0x2: {  	s0 =	stileid.u32;
	s5 =	rddreg [dreg:$0x1];
	s10 =	simm.s32 $0x48  }
0x3: {  	s11 =	simm.s32 $0x8400;
	s12 =	simm.s32 $0xC8;
	s13 =	simm.s32 $0x9600  }
0x4: {  	s14 =	simm.s32 $0x148;
	s15 =	simm.s32 $0xB600;
	s16 =	simm.s32 $0x1  }
0x5: {  	s17 =	simm.s32 $0x2;
	s18 =	simm.s32 $0x3;
	s19 =	simm.s32 $0x4  }
0x6: {  	s20 =	simm.s32 $0xC800;
	s21 =	simm.s32 $0x0;
	s3 =	sand.u32 $0x1, s1  }
0x7: {  	s2 =	sshll.u32 s0, $0x7;
	s1 =	sshll.u32 s3, $0xB;
	s8 =	ssub.s32 $0x2, s3  }
0x8: {  	s3 =	sadd.s32 $0xF43000, s4;
	s6 =	sor.u32 s2, s1;
	s1 =	rddreg [dreg:$0x2]  }
.Ltmp0:
0x9: {  	s2 =	simm.s32 $0x0;
	s9 =	sshrl.u32 s8, $0x1;
	(pc) =	sbr.rel .LBB2_1-.Ltmp0, $4  }
0xa: {  	s7 =	smul.u32 $0x19, s6;
	[smem:$0x7FF] =	sst s2;
	s8 =	ssub.s32 s8, s9  }
0xb: {  	s6 =	sshll.u32 s6, $0x3;
	s9 =	simm.s32 $0x6400;
	_ =	strace $0x80000047  }
0xc: {  	s5 =	sadd.s32 s5, s6;
	s6 =	smax.u32 s8, $0x1;
	s7 =	sadd.s32 s7, s4  }
0xd: {  	s8 =	simm.s32 $0x80;
	s4 =	sadd.s32 $0xC00, s7;
	s7 =	simm.s32 $0x5  }
.LBB2_8:
0xe: {  	s21 =	sadd.s32 $0x1, s21  }
0xf: {  	p0 =	sne.s32 s21, s6  }
.Ltmp1:
0x10: {  	_ = 	snop;
	(pc) =	sbr.rel @!p0 .LBB2_9-.Ltmp1, $4  }
0x11: {  	[hbm4b:s5+s2] =	stream.linear.scatter [tilespmem:s20], [sflag:$0x5], $0x2000, $0x38;
	[tilespmem:$0xE800] =	vst v63  }
0x12: {  	_ =	swait.ge [sflag:s7], $0x2000  }
0x13: {  	[sflag:s7] =	ssyncset.done $0x0  }
0x14: {  	[sflag:s7] =	ssyncadd.s32 $0xFFFFE000  }
.LBB2_1:
0x15: {  	[tilespmem:s2], [sflag:$0x5] =	stream.linear.gather [hbm4b:s4+s2], $0x6400, $0x38;
	[tilespmem:$0xE800] =	vst v63  }
0x16: {  	_ =	swait.ge [sflag:s7], $0x6400  }
0x17: {  	[sflag:s7] =	ssyncset.done $0x0  }
0x18: {  	[sflag:s7] =	ssyncadd.s32 $0xFFFF9C00  }
0x19: {  	[tilespmem:s9], [sflag:$0x1] =	stream.indirect.gather [hbm4b:s3+s8], $0x40, s2, s8, $0xb8;
	[tilespmem:$0xE800] =	vst v63  }
0x1a: {  	_ = 	snop  }
0x1b: {  	[tilespmem:s11], [sflag:$0x2] =	stream.indirect.gather [hbm4b:s3+s10], $0x40, s8, s10, $0xb8;
	[tilespmem:$0xE800] =	vst v63  }
0x1c: {  	_ = 	snop  }
0x1d: {  	[tilespmem:s13], [sflag:$0x3] =	stream.indirect.gather [hbm4b:s3+s8], $0x40, s12, s8, $0xb8;
	[tilespmem:$0xE800] =	vst v63  }
0x1e: {  	s22 =	simm.s32 $0x0  }
0x1f: {  	[tilespmem:s15], [sflag:$0x4] =	stream.indirect.gather [hbm4b:s3+s10], $0x40, s14, s10, $0xb8;
	[tilespmem:$0xE800] =	vst v63  }
.LBB2_2:
0x20: {  	_ =	swait.ge [sflag:s16], $0x2000  }
0x21: {  	[sflag:s16] =	ssyncset.done $0x0  }
0x22: {  	[sflag:s16] =	ssyncadd.s32 $0xFFFFE000  }
0x23: {  	_ =	swait.ge [sflag:s17], $0x1200  }
0x24: {  	[sflag:s17] =	ssyncset.done $0x0  }
0x25: {  	s23 =	simm.s32 $0x0;
	[sflag:s17] =	ssyncadd.s32 $0xFFFFEE00  }
0x26: {  	v0 =	vld [tilespmem:s23+$0x65C0]  }
0x27: {  	v1 =	vld [tilespmem:s23+$0x65D0]  }
0x28: {  	v2 =	vld [tilespmem:s23+$0x6580]  }
0x29: {  	v3 =	vld [tilespmem:s23+$0x6590]  }
0x2a: {  	v4 =	vld [tilespmem:s23+$0x6540]  }
0x2b: {  	v5 =	vld [tilespmem:s23+$0x6550]  }
0x2c: {  	v6 =	vld [tilespmem:s23+$0x6500]  }
0x2d: {  	v7 =	vld [tilespmem:s23+$0x6510]  }
0x2e: {  	v9 =	vld [tilespmem:s23+$0x64C0]  }
0x2f: {  	v8 =	vld [tilespmem:s23+$0x64D0]  }
0x30: {  	v11 =	vld [tilespmem:s23+$0x6480]  }
0x31: {  	v10 =	vld [tilespmem:s23+$0x6490]  }
0x32: {  	v17 =	vld [tilespmem:s23+$0x6440]  }
0x33: {  	v16 =	vld [tilespmem:s23+$0x6450]  }
0x34: {  	v19 =	vld [tilespmem:s23+$0x6400]  }
0x35: {  	v12 =	vimm.f32 $0.0e+00;
	v20 =	vld [tilespmem:s23+$0x6410]  }
0x36: {  	s24 =	simm.s32 $0x800;
	v15 =	vimm.f32 $0.0e+00;
	v14 =	vimm.f32 $0.0e+00;
	v13 =	vimm.f32 $0.0e+00;
	v18 =	vld [tilespmem:s23+$0x6420]  }
.LBB2_3:
0x37: {  	p0 =	sne.s32 s24, $0xC000;
	v21 =	vld [tilespmem:s23+$0x6430]  }
0x38: {  	v22 =	vld [tilespmem:s23+$0x6460]  }
0x39: {  	v23 =	vld [tilespmem:s23+$0x6470]  }
0x3a: {  	v24 =	vld [tilespmem:s23+$0x64A0]  }
0x3b: {  	v12 =	vadd.f32 v19, v12;
	v15 =	vadd.f32 v20, v15;
	v19 =	vld [tilespmem:s23+$0x64B0]  }
0x3c: {  	v14 =	vadd.f32 v18, v14;
	v13 =	vadd.f32 v21, v13;
	v18 =	vld [tilespmem:s23+$0x64E0]  }
0x3d: {  	v12 =	vadd.f32 v17, v12;
	v15 =	vadd.f32 v16, v15;
	v16 =	vld [tilespmem:s23+$0x64F0]  }
0x3e: {  	v14 =	vadd.f32 v22, v14;
	v13 =	vadd.f32 v23, v13;
	v17 =	vld [tilespmem:s23+$0x6520]  }
0x3f: {  	v11 =	vadd.f32 v11, v12;
	v10 =	vadd.f32 v10, v15;
	v12 =	vld [tilespmem:s23+$0x6530]  }
0x40: {  	v14 =	vadd.f32 v24, v14;
	v13 =	vadd.f32 v19, v13;
	v15 =	vld [tilespmem:s23+$0x6560]  }
0x41: {  	v9 =	vadd.f32 v9, v11;
	v8 =	vadd.f32 v8, v10;
	v10 =	vld [tilespmem:s23+$0x6570]  }
0x42: {  	v11 =	vadd.f32 v18, v14;
	v13 =	vadd.f32 v16, v13;
	v14 =	vld [tilespmem:s23+$0x65A0]  }
0x43: {  	v6 =	vadd.f32 v6, v9;
	v7 =	vadd.f32 v7, v8;
	v8 =	vld [tilespmem:s23+$0x65B0]  }
0x44: {  	v9 =	vadd.f32 v17, v11;
	v11 =	vadd.f32 v12, v13;
	v13 =	vld [tilespmem:s23+$0x65E0]  }
0x45: {  	v4 =	vadd.f32 v4, v6;
	v5 =	vadd.f32 v5, v7;
	v6 =	vld [tilespmem:s23+$0x65F0];
	s23 =	sshra.s32 s24, $0x2  }
0x46: {  	v9 =	vadd.f32 v15, v9;
	v7 =	vld [tilespmem:s23+$0x65C0];
	v10 =	vadd.f32 v10, v11  }
0x47: {  	v4 =	vadd.f32 v2, v4;
	v5 =	vadd.f32 v3, v5;
	v11 =	vld [tilespmem:s23+$0x65D0]  }
0x48: {  	v9 =	vadd.f32 v14, v9;
	v2 =	vld [tilespmem:s23+$0x6580];
	v8 =	vadd.f32 v8, v10  }
0x49: {  	v12 =	vadd.f32 v0, v4;
	v15 =	vadd.f32 v1, v5;
	v3 =	vld [tilespmem:s23+$0x6590]  }
0x4a: {  	v14 =	vadd.f32 v13, v9;
	v4 =	vld [tilespmem:s23+$0x6540];
	v13 =	vadd.f32 v6, v8  }
0x4b: {  	v5 =	vld [tilespmem:s23+$0x6550];
	v0 =	vmov v7  }
0x4c: {  	v6 =	vld [tilespmem:s23+$0x6500];
	v1 =	vmov v11  }
0x4d: {  	v7 =	vld [tilespmem:s23+$0x6510]  }
0x4e: {  	v9 =	vld [tilespmem:s23+$0x64C0]  }
0x4f: {  	v8 =	vld [tilespmem:s23+$0x64D0]  }
0x50: {  	v11 =	vld [tilespmem:s23+$0x6480]  }
0x51: {  	v10 =	vld [tilespmem:s23+$0x6490]  }
.Ltmp2:
0x52: {  	v17 =	vld [tilespmem:s23+$0x6440];
	(pc) =	sbr.rel @p0 .LBB2_3-.Ltmp2, $4  }
0x53: {  	v16 =	vld [tilespmem:s23+$0x6450]  }
0x54: {  	v19 =	vld [tilespmem:s23+$0x6400]  }
0x55: {  	v20 =	vld [tilespmem:s23+$0x6410]  }
0x56: {  	s24 =	sadd.s32 $0x800, s24;
	v18 =	vld [tilespmem:s23+$0x6420]  }
0x57: {  	v21 =	vld [tilespmem:s23+$0x6430]  }
0x58: {  	v22 =	vld [tilespmem:s23+$0x6460]  }
0x59: {  	v23 =	vld [tilespmem:s23+$0x6470];
	v12 =	vadd.f32 v19, v12  }
0x5a: {  	v19 =	vld [tilespmem:s23+$0x64A0];
	v15 =	vadd.f32 v20, v15  }
0x5b: {  	v20 =	vld [tilespmem:s23+$0x64B0];
	v14 =	vadd.f32 v18, v14;
	v12 =	vadd.f32 v17, v12  }
0x5c: {  	v17 =	vld [tilespmem:s23+$0x64E0];
	v13 =	vadd.f32 v21, v13;
	v15 =	vadd.f32 v16, v15  }
0x5d: {  	v16 =	vld [tilespmem:s23+$0x64F0];
	v14 =	vadd.f32 v22, v14;
	v11 =	vadd.f32 v11, v12  }
0x5e: {  	v12 =	vadd.f32 v23, v13;
	v13 =	vld [tilespmem:s23+$0x6520];
	v10 =	vadd.f32 v10, v15  }
0x5f: {  	v15 =	vld [tilespmem:s23+$0x6530];
	v14 =	vadd.f32 v19, v14;
	v9 =	vadd.f32 v9, v11  }
0x60: {  	v11 =	vadd.f32 v20, v12;
	v12 =	vld [tilespmem:s23+$0x6560];
	v8 =	vadd.f32 v8, v10  }
0x61: {  	v10 =	vld [tilespmem:s23+$0x6570];
	v14 =	vadd.f32 v17, v14;
	v6 =	vadd.f32 v6, v9  }
0x62: {  	v9 =	vadd.f32 v16, v11;
	v11 =	vld [tilespmem:s23+$0x65A0];
	v7 =	vadd.f32 v7, v8  }
0x63: {  	v8 =	vld [tilespmem:s23+$0x65B0];
	v13 =	vadd.f32 v13, v14;
	v4 =	vadd.f32 v4, v6  }
0x64: {  	v6 =	vadd.f32 v15, v9;
	v9 =	vld [tilespmem:s23+$0x65E0];
	v5 =	vadd.f32 v5, v7  }
0x65: {  	v7 =	vld [tilespmem:s23+$0x65F0];
	v12 =	vadd.f32 v12, v13;
	v2 =	vadd.f32 v2, v4  }
0x66: {  	v4 =	vadd.f32 v10, v6;
	v3 =	vadd.f32 v3, v5  }
0x67: {  	s31 =	sshll.u32 s22, $0x7;
	v5 =	vadd.f32 v11, v12;
	v0 =	vadd.f32 v0, v2  }
0x68: {  	p0 =	seq.s32 s22, $0x3F;
	s23 =	sand.u32 $0x3FFFFF80, s31;
	v2 =	vadd.f32 v8, v4;
	v1 =	vadd.f32 v1, v3  }
0x69: {  	s24 =	smul.u32 @!p0 $0x640, s22;
	v3 =	vadd.f32 v9, v5;
	[tilespmem:s23+$0xC800] =	vst v0  }
0x6a: {  	v0 =	vadd.f32 v7, v2;
	[tilespmem:s23+$0xC810] =	vst v1  }
0x6b: {  	s24 =	sshra.s32 @!p0 s24, $0x2;
	[tilespmem:s23+$0xC820] =	vst v3  }
0x6c: {  	s26 =	simm.s32 @!p0 $0x80;
	s28 =	simm.s32 @!p0 $0x6400;
	s25 =	sadd.s32 @!p0 $0x190, s24;
	[tilespmem:s23+$0xC830] =	vst v0  }
0x6d: {  	[tilespmem:s28], [sflag:$0x1] =	stream.indirect.gather @!p0 [hbm4b:s3+s26], $0x40, s25, s26, $0xb8;
	[tilespmem:$0xE800] =	vst v63  }
0x6e: {  	s24 =	sadd.s32 @!p0 $0x210, s24;
	s25 =	simm.s32 @!p0 $0x48;
	s26 =	simm.s32 @!p0 $0x8400  }
0x6f: {  	[tilespmem:s26], [sflag:$0x2] =	stream.indirect.gather @!p0 [hbm4b:s3+s25], $0x40, s24, s25, $0xb8;
	[tilespmem:$0xE800] =	vst v63  }
0x70: {  	_ =	swait.ge [sflag:s18], $0x2000  }
0x71: {  	[sflag:s18] =	ssyncset.done $0x0  }
0x72: {  	[sflag:s18] =	ssyncadd.s32 $0xFFFFE000  }
0x73: {  	_ =	swait.ge [sflag:s19], $0x1200  }
0x74: {  	[sflag:s19] =	ssyncset.done $0x0  }
0x75: {  	s24 =	simm.s32 $0x0;
	[sflag:s19] =	ssyncadd.s32 $0xFFFFEE00  }
0x76: {  	v0 =	vld [tilespmem:s24+$0x97C0]  }
0x77: {  	v1 =	vld [tilespmem:s24+$0x97D0]  }
0x78: {  	v2 =	vld [tilespmem:s24+$0x9780]  }
0x79: {  	v3 =	vld [tilespmem:s24+$0x9790]  }
0x7a: {  	v4 =	vld [tilespmem:s24+$0x9740]  }
0x7b: {  	v5 =	vld [tilespmem:s24+$0x9750]  }
0x7c: {  	v6 =	vld [tilespmem:s24+$0x9700]  }
0x7d: {  	v7 =	vld [tilespmem:s24+$0x9710]  }
0x7e: {  	v9 =	vld [tilespmem:s24+$0x96C0]  }
0x7f: {  	v8 =	vld [tilespmem:s24+$0x96D0]  }
0x80: {  	v11 =	vld [tilespmem:s24+$0x9680]  }
0x81: {  	v10 =	vld [tilespmem:s24+$0x9690]  }
0x82: {  	v17 =	vld [tilespmem:s24+$0x9640]  }
0x83: {  	v16 =	vld [tilespmem:s24+$0x9650]  }
0x84: {  	v19 =	vld [tilespmem:s24+$0x9600]  }
0x85: {  	v14 =	vimm.f32 $0.0e+00;
	v20 =	vld [tilespmem:s24+$0x9610]  }
0x86: {  	v15 =	vimm.f32 $0.0e+00;
	v13 =	vimm.f32 $0.0e+00;
	v12 =	vimm.f32 $0.0e+00;
	s25 =	simm.s32 $0x800;
	v18 =	vld [tilespmem:s24+$0x9620]  }
.LBB2_5:
0x87: {  	p1 =	sne.s32 s25, $0xC000;
	v21 =	vld [tilespmem:s24+$0x9630]  }
0x88: {  	v22 =	vld [tilespmem:s24+$0x9660]  }
0x89: {  	v23 =	vld [tilespmem:s24+$0x9670]  }
0x8a: {  	v24 =	vld [tilespmem:s24+$0x96A0]  }
0x8b: {  	v12 =	vadd.f32 v19, v12;
	v15 =	vadd.f32 v20, v15;
	v19 =	vld [tilespmem:s24+$0x96B0]  }
0x8c: {  	v14 =	vadd.f32 v18, v14;
	v13 =	vadd.f32 v21, v13;
	v18 =	vld [tilespmem:s24+$0x96E0]  }
0x8d: {  	v12 =	vadd.f32 v17, v12;
	v15 =	vadd.f32 v16, v15;
	v16 =	vld [tilespmem:s24+$0x96F0]  }
0x8e: {  	v14 =	vadd.f32 v22, v14;
	v13 =	vadd.f32 v23, v13;
	v17 =	vld [tilespmem:s24+$0x9720]  }
0x8f: {  	v11 =	vadd.f32 v11, v12;
	v10 =	vadd.f32 v10, v15;
	v12 =	vld [tilespmem:s24+$0x9730]  }
0x90: {  	v14 =	vadd.f32 v24, v14;
	v13 =	vadd.f32 v19, v13;
	v15 =	vld [tilespmem:s24+$0x9760]  }
0x91: {  	v9 =	vadd.f32 v9, v11;
	v8 =	vadd.f32 v8, v10;
	v10 =	vld [tilespmem:s24+$0x9770]  }
0x92: {  	v11 =	vadd.f32 v18, v14;
	v13 =	vadd.f32 v16, v13;
	v14 =	vld [tilespmem:s24+$0x97A0]  }
0x93: {  	v6 =	vadd.f32 v6, v9;
	v7 =	vadd.f32 v7, v8;
	v8 =	vld [tilespmem:s24+$0x97B0]  }
0x94: {  	v9 =	vadd.f32 v17, v11;
	v11 =	vadd.f32 v12, v13;
	v13 =	vld [tilespmem:s24+$0x97E0]  }
0x95: {  	v4 =	vadd.f32 v4, v6;
	v5 =	vadd.f32 v5, v7;
	v6 =	vld [tilespmem:s24+$0x97F0];
	s24 =	sshra.s32 s25, $0x2  }
0x96: {  	v9 =	vadd.f32 v15, v9;
	v7 =	vld [tilespmem:s24+$0x97C0];
	v10 =	vadd.f32 v10, v11  }
0x97: {  	v4 =	vadd.f32 v2, v4;
	v5 =	vadd.f32 v3, v5;
	v11 =	vld [tilespmem:s24+$0x97D0]  }
0x98: {  	v9 =	vadd.f32 v14, v9;
	v2 =	vld [tilespmem:s24+$0x9780];
	v8 =	vadd.f32 v8, v10  }
0x99: {  	v12 =	vadd.f32 v0, v4;
	v15 =	vadd.f32 v1, v5;
	v3 =	vld [tilespmem:s24+$0x9790]  }
0x9a: {  	v14 =	vadd.f32 v13, v9;
	v4 =	vld [tilespmem:s24+$0x9740];
	v13 =	vadd.f32 v6, v8  }
0x9b: {  	v5 =	vld [tilespmem:s24+$0x9750];
	v0 =	vmov v7  }
0x9c: {  	v6 =	vld [tilespmem:s24+$0x9700];
	v1 =	vmov v11  }
0x9d: {  	v7 =	vld [tilespmem:s24+$0x9710]  }
0x9e: {  	v9 =	vld [tilespmem:s24+$0x96C0]  }
0x9f: {  	v8 =	vld [tilespmem:s24+$0x96D0]  }
0xa0: {  	v11 =	vld [tilespmem:s24+$0x9680]  }
0xa1: {  	v10 =	vld [tilespmem:s24+$0x9690]  }
.Ltmp3:
0xa2: {  	v17 =	vld [tilespmem:s24+$0x9640];
	(pc) =	sbr.rel @p1 .LBB2_5-.Ltmp3, $4  }
0xa3: {  	v16 =	vld [tilespmem:s24+$0x9650]  }
0xa4: {  	v19 =	vld [tilespmem:s24+$0x9600]  }
0xa5: {  	v20 =	vld [tilespmem:s24+$0x9610]  }
0xa6: {  	s25 =	sadd.s32 $0x800, s25;
	v18 =	vld [tilespmem:s24+$0x9620]  }
0xa7: {  	v21 =	vld [tilespmem:s24+$0x9630]  }
0xa8: {  	v22 =	vld [tilespmem:s24+$0x9660]  }
0xa9: {  	v23 =	vld [tilespmem:s24+$0x9670];
	v12 =	vadd.f32 v19, v12  }
0xaa: {  	v43 =	vld [tilespmem:s24+$0x96A0];
	v15 =	vadd.f32 v20, v15  }
0xab: {  	v44 =	vld [tilespmem:s24+$0x96B0];
	v14 =	vadd.f32 v18, v14;
	v12 =	vadd.f32 v17, v12  }
0xac: {  	v45 =	vld [tilespmem:s24+$0x96E0];
	v13 =	vadd.f32 v21, v13;
	v15 =	vadd.f32 v16, v15  }
0xad: {  	v46 =	vld [tilespmem:s24+$0x96F0];
	v14 =	vadd.f32 v22, v14;
	v11 =	vadd.f32 v11, v12  }
0xae: {  	v48 =	vld [tilespmem:s24+$0x9720];
	v47 =	vadd.f32 v23, v13;
	v10 =	vadd.f32 v10, v15  }
0xaf: {  	v49 =	vld [tilespmem:s24+$0x9730];
	v14 =	vadd.f32 v43, v14;
	v9 =	vadd.f32 v9, v11  }
0xb0: {  	v51 =	vld [tilespmem:s24+$0x9760];
	v50 =	vadd.f32 v44, v47;
	v8 =	vadd.f32 v8, v10  }
0xb1: {  	v52 =	vld [tilespmem:s24+$0x9770];
	v14 =	vadd.f32 v45, v14;
	v6 =	vadd.f32 v6, v9  }
0xb2: {  	v54 =	vld [tilespmem:s24+$0x97A0];
	v53 =	vadd.f32 v46, v50;
	v7 =	vadd.f32 v7, v8  }
0xb3: {  	v55 =	vld [tilespmem:s24+$0x97B0];
	v13 =	vadd.f32 v48, v14;
	v4 =	vadd.f32 v4, v6  }
0xb4: {  	v57 =	vld [tilespmem:s24+$0x97E0];
	v56 =	vadd.f32 v49, v53;
	v5 =	vadd.f32 v5, v7  }
0xb5: {  	v58 =	vld [tilespmem:s24+$0x97F0];
	v12 =	vadd.f32 v51, v13;
	v2 =	vadd.f32 v2, v4  }
0xb6: {  	v59 =	vadd.f32 v52, v56;
	v3 =	vadd.f32 v3, v5  }
0xb7: {  	v60 =	vadd.f32 v54, v12;
	v0 =	vadd.f32 v0, v2  }
.Ltmp4:
0xb8: {  	v61 =	vadd.f32 v55, v59;
	v1 =	vadd.f32 v1, v3;
	(pc) =	sbr.rel @p0 .LBB2_8-.Ltmp4, $4  }
0xb9: {  	v62 =	vadd.f32 v57, v60;
	[tilespmem:s23+$0xC840] =	vst v0  }
0xba: {  	v63 =	vadd.f32 v58, v61;
	[tilespmem:s23+$0xC850] =	vst v1  }
0xbb: {  	[tilespmem:s23+$0xC860] =	vst v62  }
0xbc: {  	[tilespmem:s23+$0xC870] =	vst v63  }
0xbd: {  	s23 =	smul.u32 $0x640, s22;
	_ =	sdelay $0x1  }
.Ltmp5:
0xbe: {  	s23 =	sshra.s32 s23, $0x2;
	(pc) =	sbr.rel .LBB2_2-.Ltmp5, $4  }
0xbf: {  	s24 =	sadd.s32 $0x258, s23  }
0xc0: {  	[tilespmem:s13], [sflag:$0x3] =	stream.indirect.gather [hbm4b:s3+s8], $0x40, s24, s8, $0xb8;
	[tilespmem:$0xE800] =	vst v63  }
0xc1: {  	s22 =	sadd.s32 $0x1, s22;
	s23 =	sadd.s32 $0x2D8, s23  }
0xc2: {  	[tilespmem:s15], [sflag:$0x4] =	stream.indirect.gather [hbm4b:s3+s10], $0x40, s23, s10, $0xb8;
	[tilespmem:$0xE800] =	vst v63  }
.LBB2_9:
0xc3: {  	_ =	sfence.sel $0x180000  }
0xc4: {  	[bflag:$0x0] =	sbarrier.arrive $0xFFFF  }
0xc5: {  	p0 =	sne.s32 s0, $0x0;
	_ =	strace $0x90000047  }
0xc6: {  	s0 =	sadd.s32 @!p0 $0x100000, s1;
	[bflag:$0x2] =	sbarrier.arrive $0xFFFF  }
0xc7: {  	[sflag:s0] =	ssyncadd.tile.s32 @!p0 $0x1;
	_ =	shalt  }
.Lfunc_end2:
_tile_overlayer_lowered:
.L_overlay_start_2:
0xc8: {  	(tag) =	ssettag $0x2  }
0xc9: {  	s0 =	rddreg [dreg:$0x0];
	s2 =	stileid.u32  }
0xca: {  	s1 =	rddreg [dreg:$0x1];
	p0 =	sne.s32 s2, $0x0  }
0xcb: {  	s3 =	rddreg [dreg:$0x2];
	[bflag:$0x3] =	sbarrier.arrive $0xFFFF;
	s2 =	simm.s32 @!p0 $0x1C05  }
0xcc: {  	[timem:s3], [sflag:s2] =	dma.local @!p0 [hbm:s0], s1  }
0xcd: {  	s0 =	simm.s32 @!p0 $0x5  }
0xce: {  	_ =	swait.ge @!p0 [sflag:s0], s1  }
0xcf: {  	s1 =	ssub.s32 @!p0 $0x0, s1;
	[sflag:s0] =	ssyncset.done @!p0 $0x0  }
0xd0: {  	[sflag:s0] =	ssyncadd.s32 @!p0 s1  }
0xd1: {  	[bflag:$0x3] =	sbarrier.arrive $0xFFFF  }
0xd2: {  	_ =	shalt  }

</sc_bundles>
